<compile_context>
chip_gen: v7x
topology: tpu7x:2x2x1
jax: 0.10.2.dev20260603
libtpu: 0.0.44.dev20260713+nightly
codegen_flags: <defaults>
</compile_context>

<pallas_src>
import functools

import jax
import jax.numpy as jnp
from jax import lax
from jax.experimental import pallas as pl
from jax.experimental.pallas import tpu as pltpu
from jax.experimental.pallas import tpu_sc as plsc

_VOCAB = 1000000
_BATCH = 4096
_SLOT_NUM = 26
_NNZ = 4
_EMB = 32

_B = _BATCH * _SLOT_NUM * _NNZ
_NW = 32
_BPW = _B // _NW
_CHUNK = 128
_NCH = _BPW // _CHUNK

_BW = 1024
_NBLK = _VOCAB // _BW
_REM = _VOCAB - _NBLK * _BW

_mesh = plsc.VectorSubcoreMesh(core_axis_name="c", subcore_axis_name="s")


def _transpose_block(src_v, dst_v, ncols):
    lanes = lax.iota(jnp.int32, 16)
    hi = lanes + 16

    @plsc.parallel_loop(0, ncols, unroll=16)
    def _col(j):
        col = jnp.full((16,), j, jnp.int32)
        v0 = plsc.load_gather(src_v, [lanes, col])
        v1 = plsc.load_gather(src_v, [hi, col])
        dst_v[pl.ds(j * _EMB, 16)] = v0
        dst_v[pl.ds(j * _EMB + 16, 16)] = v1


@functools.partial(
    pl.kernel,
    mesh=_mesh,
    out_type=jax.ShapeDtypeStruct((_VOCAB * _EMB,), jnp.float32),
    scratch_types=[
        pltpu.VMEM((_EMB, _BW + 9), jnp.float32),
        pltpu.VMEM((_EMB, _BW + 9), jnp.float32),
        pltpu.VMEM((_EMB, _REM), jnp.float32),
        pltpu.VMEM((_BW * _EMB,), jnp.float32),
        pltpu.SemaphoreType.DMA,
    ],
    compiler_params=pltpu.CompilerParams(
        use_tc_tiling_on_sc=True, needs_layout_passes=False
    ),
)
def _sc_transpose(tab_t, out_flat, blk_a, blk_b, blk_r, tr_v, sem):
    wid = lax.axis_index("s") * 2 + lax.axis_index("c")

    def fetch(c, buf):
        return pltpu.async_copy(
            tab_t.at[:, pl.ds(c * _BW, _BW)], buf.at[:, pl.ds(0, _BW)], sem
        )

    n_mine = (_NBLK - wid + _NW - 1) // _NW

    def emit(c, buf):
        _transpose_block(buf, tr_v, _BW)
        pltpu.sync_copy(
            tr_v, out_flat.at[pl.ds(c * (_BW * _EMB), _BW * _EMB)]
        )

    fetch(wid, blk_a).wait()

    def body(i, _):
        c = wid + (2 * i) * _NW
        c1 = jnp.where(2 * i + 1 < n_mine, c + _NW, wid)
        cp_b = fetch(c1, blk_b)
        emit(c, blk_a)
        cp_b.wait()
        c2 = jnp.where(2 * i + 2 < n_mine, c + 2 * _NW, wid)
        cp_a = fetch(c2, blk_a)

        @pl.when(2 * i + 1 < n_mine)
        def _odd():
            emit(c1, blk_b)

        cp_a.wait()
        return 0

    lax.fori_loop(0, (n_mine + 1) // 2, body, 0, unroll=False)

    @pl.when(wid == 0)
    def _rem():
        pltpu.async_copy(
            tab_t.at[:, pl.ds(_NBLK * _BW, _REM)], blk_r, sem
        ).wait()
        _transpose_block(blk_r, tr_v, _REM)
        pltpu.sync_copy(
            tr_v.at[pl.ds(0, _REM * _EMB)],
            out_flat.at[pl.ds(_NBLK * _BW * _EMB, _REM * _EMB)],
        )


@functools.partial(
    pl.kernel,
    mesh=_mesh,
    out_type=jax.ShapeDtypeStruct((_B, _EMB), jnp.float32),
    scratch_types=[
        pltpu.VMEM((_BPW,), jnp.int32),
        pltpu.VMEM((_CHUNK, _EMB), jnp.float32),
        pltpu.VMEM((_CHUNK, _EMB), jnp.float32),
        pltpu.SemaphoreType.DMA,
    ],
    compiler_params=pltpu.CompilerParams(use_tc_tiling_on_sc=False),
)
def _sc_gather(idx_hbm, table_hbm, out_hbm, idx_v, rows_a, rows_b, sem_g):
    wid = lax.axis_index("s") * 2 + lax.axis_index("c")
    base = wid * _BPW

    pltpu.sync_copy(idx_hbm.at[pl.ds(base, _BPW)], idx_v)

    def gather_start(i, buf):
        return pltpu.async_copy(
            table_hbm.at[idx_v.at[pl.ds(i * _CHUNK, _CHUNK)]],
            buf,
            sem_g,
        )

    def write_out(i, buf):
        pltpu.sync_copy(buf, out_hbm.at[pl.ds(base + i * _CHUNK, _CHUNK)])

    gather_start(0, rows_a).wait()

    def body(i, _):
        c0 = 2 * i
        cp_b = gather_start(jnp.where(c0 + 1 < _NCH, c0 + 1, 0), rows_b)
        write_out(c0, rows_a)
        cp_b.wait()
        cp_a = gather_start(jnp.where(c0 + 2 < _NCH, c0 + 2, 0), rows_a)

        @pl.when(c0 + 1 < _NCH)
        def _odd():
            write_out(c0 + 1, rows_b)

        cp_a.wait()
        return 0

    lax.fori_loop(0, (_NCH + 1) // 2, body, 0, unroll=False)


def kernel(inputs, table):
    flat = inputs.reshape(-1).astype(jnp.int32)
    tab_flat = _sc_transpose(table.T)
    tab_lin = tab_flat.reshape(_VOCAB, _EMB)
    out = _sc_gather(flat, tab_lin)
    return out.reshape(_BATCH, _SLOT_NUM, _NNZ, _EMB)

# --- scband reference (transcript-rebuilt; emitter-appended) ---
"""Pipeline reference for scband-all2-all-dense-embedding-28827820491521 (READ-ONLY COPY).

The authoritative reference and input builder live on the scoring server;
editing this copy changes nothing except your own understanding.
"""

import jax, jax.numpy as jnp
import numpy as np

VOCAB = 1000000
EMB_DIM = 32
BATCH = 4096
SLOT_NUM = 26
NNZ_PER_SLOT = 4


def setup_inputs(seed: int = 0) -> dict:
    key = jax.random.key(seed)
    k_idx, k_tab = jax.random.split(key)
    inputs = jax.random.randint(k_idx, (BATCH, SLOT_NUM, NNZ_PER_SLOT), 0, VOCAB, dtype=jnp.int64 if jax.config.jax_enable_x64 else jnp.int32)
    table = jax.random.normal(k_tab, (VOCAB, EMB_DIM), dtype=jnp.float32) * 0.01
    return {"inputs": inputs, "table": table}


def reference(inputs, table):
    # All2AllDenseEmbedding forward: gather embedding vectors for every key.
    # Keys are stored row-major; output is [batch, slot_num, nnz_per_slot, embedding_vec_size].
    flat = inputs.reshape(-1)
    emb = jnp.take(table, flat, axis=0)
    emb_vector = emb.reshape(BATCH, SLOT_NUM, NNZ_PER_SLOT, EMB_DIM)
    return emb_vector

if __name__ == "__main__":
    import jax
    _d = setup_inputs()
    print(jax.jit(kernel)(*tuple(_d.values())))

</pallas_src>

<mosaic_0001>
#map = affine_map<(d0, d1) -> (0, 0)>
#map1 = affine_map<(d0, d1) -> (0)>
module attributes {stable_mosaic.version = 14 : i64} {
  func.func @_sc_transpose(%arg0: i32, %arg1: i32, %arg2: memref<32x1000000xf32, #tpu.memory_space<hbm>>, %arg3: memref<32000000xf32, #tpu.memory_space<hbm>>, %arg4: memref<32x1033xf32, #tpu.memory_space<vmem>>, %arg5: memref<32x1033xf32, #tpu.memory_space<vmem>>, %arg6: memref<32x576xf32, #tpu.memory_space<vmem>>, %arg7: memref<32768xf32, #tpu.memory_space<vmem>>, %arg8: memref<!tpu.dma_semaphore, #tpu.memory_space<semaphore_mem>>) attributes {dimension_semantics = [#tpu.dimension_semantics<core_parallel>, #tpu.dimension_semantics<subcore_parallel>], iteration_bounds = array<i64: 2, 16>, scalar_prefetch = 0 : i64, scratch_operands = 5 : i64, tpu.core_type = #tpu.core_type<sc_vector_subcore>, window_params = [{transform_indices = #map}, {transform_indices = #map1}]} {
    %mul3A = arith.constant 2 : i32
    %mul3A_0 = arith.muli %arg1, %mul3A : i32
    %add3A = arith.addi %mul3A_0, %arg0 : i32
    %sub3A = arith.constant 976 : i32
    %sub3A_1 = arith.subi %sub3A, %add3A : i32
    %add3A_2 = arith.constant 32 : i32
    %add3A_3 = arith.addi %sub3A_1, %add3A_2 : i32
    %sub3A_4 = arith.constant 1 : i32
    %sub3A_5 = arith.subi %add3A_3, %sub3A_4 : i32
    %jit3A = arith.constant 32 : i32
    %div3A = arith.divsi %sub3A_5, %jit3A : i32
    %sign3A = arith.constant 0 : i32
    %sign3A_6 = arith.cmpi sgt, %sub3A_5, %sign3A : i32
    %sign3A_7 = arith.extui %sign3A_6 : i1 to i32
    %sign3A_8 = arith.constant 0 : i32
    %sign3A_9 = arith.cmpi slt, %sub3A_5, %sign3A_8 : i32
    %sign3A_10 = arith.extui %sign3A_9 : i1 to i32
    %sign3A_11 = arith.subi %sign3A_7, %sign3A_10 : i32
    %sign3A_12 = arith.constant 0 : i32
    %sign3A_13 = arith.cmpi sgt, %jit3A, %sign3A_12 : i32
    %sign3A_14 = arith.extui %sign3A_13 : i1 to i32
    %sign3A_15 = arith.constant 0 : i32
    %sign3A_16 = arith.cmpi slt, %jit3A, %sign3A_15 : i32
    %sign3A_17 = arith.extui %sign3A_16 : i1 to i32
    %sign3A_18 = arith.subi %sign3A_14, %sign3A_17 : i32
    %ne3A = arith.cmpi ne, %sign3A_11, %sign3A_18 : i32
    %rem3A = arith.remsi %sub3A_5, %jit3A : i32
    %ne3A_19 = arith.constant 0 : i32
    %ne3A_20 = arith.cmpi ne, %rem3A, %ne3A_19 : i32
    %and3A = arith.andi %ne3A, %ne3A_20 : i1
    %sub3A_21 = arith.constant 1 : i32
    %sub3A_22 = arith.subi %div3A, %sub3A_21 : i32
    %select_n3A = arith.select %and3A, %sub3A_22, %div3A : i32
    %mul3A_23 = arith.constant 1024 : i32
    %mul3A_24 = arith.muli %add3A, %mul3A_23 : i32
    %dma_start3A = arith.constant 0 : i32
    %dma_start3A_25 = arith.constant 0 : i32
    %dma_start3A_26 = tpu.memref_slice %arg4[%dma_start3A, %dma_start3A_25] : memref<32x1033xf32, #tpu.memory_space<vmem>> -> memref<32x1024xf32, #tpu.memory_space<vmem>>
    %dma_start3A_27 = arith.constant 0 : i32
    %dma_start3A_28 = tpu.memref_slice %arg2[%dma_start3A_27, %mul3A_24] : memref<32x1000000xf32, #tpu.memory_space<hbm>> -> memref<32x1024xf32, #tpu.memory_space<hbm>>
    %dma_start3A_29 = arith.constant 0 : i32
    %dma_start3A_30 = arith.constant 0 : i32
    %dma_start3A_31 = tpu.memref_slice %arg4[%dma_start3A_29, %dma_start3A_30] : memref<32x1033xf32, #tpu.memory_space<vmem>> -> memref<32x1024xf32, #tpu.memory_space<vmem>>
    %dma_start3A_32 = arith.constant 0 : i32
    %dma_start3A_33 = tpu.memref_slice %arg2[%dma_start3A_32, %mul3A_24] : memref<32x1000000xf32, #tpu.memory_space<hbm>> -> memref<32x1024xf32, #tpu.memory_space<hbm>>
    tpu.enqueue_dma source(%dma_start3A_33 : memref<32x1024xf32, #tpu.memory_space<hbm>>) target(%dma_start3A_31 : memref<32x1024xf32, #tpu.memory_space<vmem>>) target_semaphore(%arg8 : memref<!tpu.dma_semaphore, #tpu.memory_space<semaphore_mem>>)
    %dma_wait3A = arith.constant 0 : i32
    %dma_wait3A_34 = arith.constant 0 : i32
    %dma_wait3A_35 = tpu.memref_slice %arg4[%dma_wait3A, %dma_wait3A_34] : memref<32x1033xf32, #tpu.memory_space<vmem>> -> memref<32x1024xf32, #tpu.memory_space<vmem>>
    %dma_wait3A_36 = arith.constant 0 : i32
    %dma_wait3A_37 = tpu.memref_slice %arg2[%dma_wait3A_36, %mul3A_24] : memref<32x1000000xf32, #tpu.memory_space<hbm>> -> memref<32x1024xf32, #tpu.memory_space<hbm>>
    %dma_wait3A_38 = arith.constant 0 : i32
    %dma_wait3A_39 = arith.constant 0 : i32
    %dma_wait3A_40 = tpu.memref_slice %arg4[%dma_wait3A_38, %dma_wait3A_39] : memref<32x1033xf32, #tpu.memory_space<vmem>> -> memref<32x1024xf32, #tpu.memory_space<vmem>>
    %dma_wait3A_41 = arith.constant 0 : i32
    %dma_wait3A_42 = tpu.memref_slice %arg2[%dma_wait3A_41, %mul3A_24] : memref<32x1000000xf32, #tpu.memory_space<hbm>> -> memref<32x1024xf32, #tpu.memory_space<hbm>>
    tpu.wait_dma2 semaphore(%arg8 : memref<!tpu.dma_semaphore, #tpu.memory_space<semaphore_mem>>) src(%dma_wait3A_42 : memref<32x1024xf32, #tpu.memory_space<hbm>>) dst(%dma_wait3A_40 : memref<32x1024xf32, #tpu.memory_space<vmem>>)
    %add3A_43 = arith.constant 1 : i32
    %add3A_44 = arith.addi %select_n3A, %add3A_43 : i32
    %jit3A_45 = arith.constant 2 : i32
    %div3A_46 = arith.divsi %add3A_44, %jit3A_45 : i32
    %sign3A_47 = arith.constant 0 : i32
    %sign3A_48 = arith.cmpi sgt, %add3A_44, %sign3A_47 : i32
    %sign3A_49 = arith.extui %sign3A_48 : i1 to i32
    %sign3A_50 = arith.constant 0 : i32
    %sign3A_51 = arith.cmpi slt, %add3A_44, %sign3A_50 : i32
    %sign3A_52 = arith.extui %sign3A_51 : i1 to i32
    %sign3A_53 = arith.subi %sign3A_49, %sign3A_52 : i32
    %sign3A_54 = arith.constant 0 : i32
    %sign3A_55 = arith.cmpi sgt, %jit3A_45, %sign3A_54 : i32
    %sign3A_56 = arith.extui %sign3A_55 : i1 to i32
    %sign3A_57 = arith.constant 0 : i32
    %sign3A_58 = arith.cmpi slt, %jit3A_45, %sign3A_57 : i32
    %sign3A_59 = arith.extui %sign3A_58 : i1 to i32
    %sign3A_60 = arith.subi %sign3A_56, %sign3A_59 : i32
    %ne3A_61 = arith.cmpi ne, %sign3A_53, %sign3A_60 : i32
    %rem3A_62 = arith.remsi %add3A_44, %jit3A_45 : i32
    %ne3A_63 = arith.constant 0 : i32
    %ne3A_64 = arith.cmpi ne, %rem3A_62, %ne3A_63 : i32
    %and3A_65 = arith.andi %ne3A_61, %ne3A_64 : i1
    %sub3A_66 = arith.constant 1 : i32
    %sub3A_67 = arith.subi %div3A_46, %sub3A_66 : i32
    %select_n3A_68 = arith.select %and3A_65, %sub3A_67, %div3A_46 : i32
    %while3A = arith.constant 0 : i32
    %while3A_69 = arith.constant 0 : i32
    %while3A_70 = arith.subi %select_n3A_68, %while3A : i32
    %while3A_71 = arith.addi %while3A, %while3A_70 : i32
    %while3A_72 = arith.constant 1 : i32
    %while3A_73 = arith.divsi %while3A_70, %while3A_72 : i32
    %while3A_74 = arith.muli %while3A_73, %while3A_72 : i32
    %while3A_75 = arith.addi %while3A, %while3A_74 : i32
    %while3A_76 = arith.constant 1 : i32
    %while3A_77 = scf.for %while3A_82 = %while3A to %while3A_75 step %while3A_76 iter_args(%while3A_83 = %while3A_69) -> (i32)  : i32 {
      %mul3A_84 = arith.constant 2 : i32
      %mul3A_85 = arith.muli %mul3A_84, %while3A_82 : i32
      %mul3A_86 = arith.constant 32 : i32
      %mul3A_87 = arith.muli %mul3A_85, %mul3A_86 : i32
      %add3A_88 = arith.addi %add3A, %mul3A_87 : i32
      %mul3A_89 = arith.constant 2 : i32
      %mul3A_90 = arith.muli %mul3A_89, %while3A_82 : i32
      %add3A_91 = arith.constant 1 : i32
      %add3A_92 = arith.addi %mul3A_90, %add3A_91 : i32
      %lt3A = arith.cmpi slt, %add3A_92, %select_n3A : i32
      %add3A_93 = arith.constant 32 : i32
      %add3A_94 = arith.addi %add3A_88, %add3A_93 : i32
      %select_n3A_95 = arith.select %lt3A, %add3A_94, %add3A : i32
      %mul3A_96 = arith.constant 1024 : i32
      %mul3A_97 = arith.muli %select_n3A_95, %mul3A_96 : i32
      %dma_start3A_98 = arith.constant 0 : i32
      %dma_start3A_99 = arith.constant 0 : i32
      %dma_start3A_100 = tpu.memref_slice %arg5[%dma_start3A_98, %dma_start3A_99] : memref<32x1033xf32, #tpu.memory_space<vmem>> -> memref<32x1024xf32, #tpu.memory_space<vmem>>
      %dma_start3A_101 = arith.constant 0 : i32
      %dma_start3A_102 = tpu.memref_slice %arg2[%dma_start3A_101, %mul3A_97] : memref<32x1000000xf32, #tpu.memory_space<hbm>> -> memref<32x1024xf32, #tpu.memory_space<hbm>>
      %dma_start3A_103 = arith.constant 0 : i32
      %dma_start3A_104 = arith.constant 0 : i32
      %dma_start3A_105 = tpu.memref_slice %arg5[%dma_start3A_103, %dma_start3A_104] : memref<32x1033xf32, #tpu.memory_space<vmem>> -> memref<32x1024xf32, #tpu.memory_space<vmem>>
      %dma_start3A_106 = arith.constant 0 : i32
      %dma_start3A_107 = tpu.memref_slice %arg2[%dma_start3A_106, %mul3A_97] : memref<32x1000000xf32, #tpu.memory_space<hbm>> -> memref<32x1024xf32, #tpu.memory_space<hbm>>
      tpu.enqueue_dma source(%dma_start3A_107 : memref<32x1024xf32, #tpu.memory_space<hbm>>) target(%dma_start3A_105 : memref<32x1024xf32, #tpu.memory_space<vmem>>) target_semaphore(%arg8 : memref<!tpu.dma_semaphore, #tpu.memory_space<semaphore_mem>>)
      %iota3A = tpu.iota {dimensions = array<i32: 0>} : vector<16xi32>
      %add3A_108 = arith.constant 16 : i32
      %add3A_109 = vector.broadcast %add3A_108 : i32 to vector<16xi32>
      %add3A_110 = arith.addi %iota3A, %add3A_109 : vector<16xi32>
      %parallel_loop3A = arith.constant 0 : i32
      %parallel_loop3A_111 = arith.constant 1024 : i32
      %parallel_loop3A_112 = arith.constant 1 : i32
      scf.for %parallel_loop3A_164 = %parallel_loop3A to %parallel_loop3A_111 step %parallel_loop3A_112  : i32 {
        %parallel_loop3A_165 = vector.broadcast %parallel_loop3A_164 : i32 to vector<16xi32>
        %parallel_loop3A_166 = tpu.vector_load_idx %arg4[%iota3A, %parallel_loop3A_165] : memref<32x1033xf32, #tpu.memory_space<vmem>>[vector<16xi32>, vector<16xi32>], vector<16xf32>,
        %parallel_loop3A_167 = tpu.vector_load_idx %arg4[%add3A_110, %parallel_loop3A_165] : memref<32x1033xf32, #tpu.memory_space<vmem>>[vector<16xi32>, vector<16xi32>], vector<16xf32>,
        %parallel_loop3A_168 = arith.constant 32 : i32
        %parallel_loop3A_169 = arith.muli %parallel_loop3A_164, %parallel_loop3A_168 : i32
        %parallel_loop3A_170 = arith.index_cast %parallel_loop3A_169 : i32 to index
        %parallel_loop3A_171 = tpu.vector_load %arg7[%parallel_loop3A_170] {strides = array<i32>} : memref<32768xf32, #tpu.memory_space<vmem>>, vector<16xf32>,
        tpu.vector_store %arg7[%parallel_loop3A_170], %parallel_loop3A_166 {strides = array<i32>} : memref<32768xf32, #tpu.memory_space<vmem>>, vector<16xf32>,
        %parallel_loop3A_172 = arith.constant 32 : i32
        %parallel_loop3A_173 = arith.muli %parallel_loop3A_164, %parallel_loop3A_172 : i32
        %parallel_loop3A_174 = arith.constant 16 : i32
        %parallel_loop3A_175 = arith.addi %parallel_loop3A_173, %parallel_loop3A_174 : i32
        %parallel_loop3A_176 = arith.index_cast %parallel_loop3A_175 : i32 to index
        %parallel_loop3A_177 = tpu.vector_load %arg7[%parallel_loop3A_176] {strides = array<i32>} : memref<32768xf32, #tpu.memory_space<vmem>>, vector<16xf32>,
        tpu.vector_store %arg7[%parallel_loop3A_176], %parallel_loop3A_167 {strides = array<i32>} : memref<32768xf32, #tpu.memory_space<vmem>>, vector<16xf32>,
      } {sc.loop_unroll_factor = 16 : i64, sc.parallel_access}
      %mul3A_113 = arith.constant 32768 : i32
      %mul3A_114 = arith.muli %add3A_88, %mul3A_113 : i32
      "tpu.region"() ({
        %run_scoped3A = tpu.sem_alloc : memref<!tpu.dma_semaphore, #tpu.memory_space<semaphore_mem>>
        %dma_start3A_164 = tpu.memref_slice %arg3[%mul3A_114] : memref<32000000xf32, #tpu.memory_space<hbm>> -> memref<32768xf32, #tpu.memory_space<hbm>>
        %dma_start3A_165 = tpu.memref_slice %arg3[%mul3A_114] : memref<32000000xf32, #tpu.memory_space<hbm>> -> memref<32768xf32, #tpu.memory_space<hbm>>
        tpu.enqueue_dma source(%arg7 : memref<32768xf32, #tpu.memory_space<vmem>>) target(%dma_start3A_165 : memref<32768xf32, #tpu.memory_space<hbm>>) target_semaphore(%run_scoped3A : memref<!tpu.dma_semaphore, #tpu.memory_space<semaphore_mem>>)
        %dma_wait3A_166 = tpu.memref_slice %arg3[%mul3A_114] : memref<32000000xf32, #tpu.memory_space<hbm>> -> memref<32768xf32, #tpu.memory_space<hbm>>
        %dma_wait3A_167 = tpu.memref_slice %arg3[%mul3A_114] : memref<32000000xf32, #tpu.memory_space<hbm>> -> memref<32768xf32, #tpu.memory_space<hbm>>
        tpu.wait_dma2 semaphore(%run_scoped3A : memref<!tpu.dma_semaphore, #tpu.memory_space<semaphore_mem>>) src(%arg7 : memref<32768xf32, #tpu.memory_space<vmem>>) dst(%dma_wait3A_167 : memref<32768xf32, #tpu.memory_space<hbm>>)
        tpu.yield
      }) : () -> ()
      %dma_wait3A_115 = arith.constant 0 : i32
      %dma_wait3A_116 = arith.constant 0 : i32
      %dma_wait3A_117 = tpu.memref_slice %arg5[%dma_wait3A_115, %dma_wait3A_116] : memref<32x1033xf32, #tpu.memory_space<vmem>> -> memref<32x1024xf32, #tpu.memory_space<vmem>>
      %dma_wait3A_118 = arith.constant 0 : i32
      %dma_wait3A_119 = tpu.memref_slice %arg2[%dma_wait3A_118, %mul3A_97] : memref<32x1000000xf32, #tpu.memory_space<hbm>> -> memref<32x1024xf32, #tpu.memory_space<hbm>>
      %dma_wait3A_120 = arith.constant 0 : i32
      %dma_wait3A_121 = arith.constant 0 : i32
      %dma_wait3A_122 = tpu.memref_slice %arg5[%dma_wait3A_120, %dma_wait3A_121] : memref<32x1033xf32, #tpu.memory_space<vmem>> -> memref<32x1024xf32, #tpu.memory_space<vmem>>
      %dma_wait3A_123 = arith.constant 0 : i32
      %dma_wait3A_124 = tpu.memref_slice %arg2[%dma_wait3A_123, %mul3A_97] : memref<32x1000000xf32, #tpu.memory_space<hbm>> -> memref<32x1024xf32, #tpu.memory_space<hbm>>
      tpu.wait_dma2 semaphore(%arg8 : memref<!tpu.dma_semaphore, #tpu.memory_space<semaphore_mem>>) src(%dma_wait3A_124 : memref<32x1024xf32, #tpu.memory_space<hbm>>) dst(%dma_wait3A_122 : memref<32x1024xf32, #tpu.memory_space<vmem>>)
      %mul3A_125 = arith.constant 2 : i32
      %mul3A_126 = arith.muli %mul3A_125, %while3A_82 : i32
      %add3A_127 = arith.constant 2 : i32
      %add3A_128 = arith.addi %mul3A_126, %add3A_127 : i32
      %lt3A_129 = arith.cmpi slt, %add3A_128, %select_n3A : i32
      %add3A_130 = arith.constant 64 : i32
      %add3A_131 = arith.addi %add3A_88, %add3A_130 : i32
      %select_n3A_132 = arith.select %lt3A_129, %add3A_131, %add3A : i32
      %mul3A_133 = arith.constant 1024 : i32
      %mul3A_134 = arith.muli %select_n3A_132, %mul3A_133 : i32
      %dma_start3A_135 = arith.constant 0 : i32
      %dma_start3A_136 = arith.constant 0 : i32
      %dma_start3A_137 = tpu.memref_slice %arg4[%dma_start3A_135, %dma_start3A_136] : memref<32x1033xf32, #tpu.memory_space<vmem>> -> memref<32x1024xf32, #tpu.memory_space<vmem>>
      %dma_start3A_138 = arith.constant 0 : i32
      %dma_start3A_139 = tpu.memref_slice %arg2[%dma_start3A_138, %mul3A_134] : memref<32x1000000xf32, #tpu.memory_space<hbm>> -> memref<32x1024xf32, #tpu.memory_space<hbm>>
      %dma_start3A_140 = arith.constant 0 : i32
      %dma_start3A_141 = arith.constant 0 : i32
      %dma_start3A_142 = tpu.memref_slice %arg4[%dma_start3A_140, %dma_start3A_141] : memref<32x1033xf32, #tpu.memory_space<vmem>> -> memref<32x1024xf32, #tpu.memory_space<vmem>>
      %dma_start3A_143 = arith.constant 0 : i32
      %dma_start3A_144 = tpu.memref_slice %arg2[%dma_start3A_143, %mul3A_134] : memref<32x1000000xf32, #tpu.memory_space<hbm>> -> memref<32x1024xf32, #tpu.memory_space<hbm>>
      tpu.enqueue_dma source(%dma_start3A_144 : memref<32x1024xf32, #tpu.memory_space<hbm>>) target(%dma_start3A_142 : memref<32x1024xf32, #tpu.memory_space<vmem>>) target_semaphore(%arg8 : memref<!tpu.dma_semaphore, #tpu.memory_space<semaphore_mem>>)
      %mul3A_145 = arith.constant 2 : i32
      %mul3A_146 = arith.muli %mul3A_145, %while3A_82 : i32
      %add3A_147 = arith.constant 1 : i32
      %add3A_148 = arith.addi %mul3A_146, %add3A_147 : i32
      %lt3A_149 = arith.cmpi slt, %add3A_148, %select_n3A : i32
      %convert_element_type3A_150 = arith.extui %lt3A_149 : i1 to i32
      %cond3A_151 = arith.constant 0 : i32
      %cond3A_152 = arith.cmpi ne, %convert_element_type3A_150, %cond3A_151 : i32
      scf.if %cond3A_152 {
        %iota3A_164 = tpu.iota {dimensions = array<i32: 0>} : vector<16xi32>
        %add3A_165 = arith.constant 16 : i32
        %add3A_166 = vector.broadcast %add3A_165 : i32 to vector<16xi32>
        %add3A_167 = arith.addi %iota3A_164, %add3A_166 : vector<16xi32>
        %parallel_loop3A_168 = arith.constant 0 : i32
        %parallel_loop3A_169 = arith.constant 1024 : i32
        %parallel_loop3A_170 = arith.constant 1 : i32
        scf.for %parallel_loop3A_173 = %parallel_loop3A_168 to %parallel_loop3A_169 step %parallel_loop3A_170  : i32 {
          %parallel_loop3A_174 = vector.broadcast %parallel_loop3A_173 : i32 to vector<16xi32>
          %parallel_loop3A_175 = tpu.vector_load_idx %arg5[%iota3A_164, %parallel_loop3A_174] : memref<32x1033xf32, #tpu.memory_space<vmem>>[vector<16xi32>, vector<16xi32>], vector<16xf32>,
          %parallel_loop3A_176 = tpu.vector_load_idx %arg5[%add3A_167, %parallel_loop3A_174] : memref<32x1033xf32, #tpu.memory_space<vmem>>[vector<16xi32>, vector<16xi32>], vector<16xf32>,
          %parallel_loop3A_177 = arith.constant 32 : i32
          %parallel_loop3A_178 = arith.muli %parallel_loop3A_173, %parallel_loop3A_177 : i32
          %parallel_loop3A_179 = arith.index_cast %parallel_loop3A_178 : i32 to index
          %parallel_loop3A_180 = tpu.vector_load %arg7[%parallel_loop3A_179] {strides = array<i32>} : memref<32768xf32, #tpu.memory_space<vmem>>, vector<16xf32>,
          tpu.vector_store %arg7[%parallel_loop3A_179], %parallel_loop3A_175 {strides = array<i32>} : memref<32768xf32, #tpu.memory_space<vmem>>, vector<16xf32>,
          %parallel_loop3A_181 = arith.constant 32 : i32
          %parallel_loop3A_182 = arith.muli %parallel_loop3A_173, %parallel_loop3A_181 : i32
          %parallel_loop3A_183 = arith.constant 16 : i32
          %parallel_loop3A_184 = arith.addi %parallel_loop3A_182, %parallel_loop3A_183 : i32
          %parallel_loop3A_185 = arith.index_cast %parallel_loop3A_184 : i32 to index
          %parallel_loop3A_186 = tpu.vector_load %arg7[%parallel_loop3A_185] {strides = array<i32>} : memref<32768xf32, #tpu.memory_space<vmem>>, vector<16xf32>,
          tpu.vector_store %arg7[%parallel_loop3A_185], %parallel_loop3A_176 {strides = array<i32>} : memref<32768xf32, #tpu.memory_space<vmem>>, vector<16xf32>,
        } {sc.loop_unroll_factor = 16 : i64, sc.parallel_access}
        %mul3A_171 = arith.constant 32768 : i32
        %mul3A_172 = arith.muli %select_n3A_95, %mul3A_171 : i32
        "tpu.region"() ({
          %run_scoped3A = tpu.sem_alloc : memref<!tpu.dma_semaphore, #tpu.memory_space<semaphore_mem>>
          %dma_start3A_173 = tpu.memref_slice %arg3[%mul3A_172] : memref<32000000xf32, #tpu.memory_space<hbm>> -> memref<32768xf32, #tpu.memory_space<hbm>>
          %dma_start3A_174 = tpu.memref_slice %arg3[%mul3A_172] : memref<32000000xf32, #tpu.memory_space<hbm>> -> memref<32768xf32, #tpu.memory_space<hbm>>
          tpu.enqueue_dma source(%arg7 : memref<32768xf32, #tpu.memory_space<vmem>>) target(%dma_start3A_174 : memref<32768xf32, #tpu.memory_space<hbm>>) target_semaphore(%run_scoped3A : memref<!tpu.dma_semaphore, #tpu.memory_space<semaphore_mem>>)
          %dma_wait3A_175 = tpu.memref_slice %arg3[%mul3A_172] : memref<32000000xf32, #tpu.memory_space<hbm>> -> memref<32768xf32, #tpu.memory_space<hbm>>
          %dma_wait3A_176 = tpu.memref_slice %arg3[%mul3A_172] : memref<32000000xf32, #tpu.memory_space<hbm>> -> memref<32768xf32, #tpu.memory_space<hbm>>
          tpu.wait_dma2 semaphore(%run_scoped3A : memref<!tpu.dma_semaphore, #tpu.memory_space<semaphore_mem>>) src(%arg7 : memref<32768xf32, #tpu.memory_space<vmem>>) dst(%dma_wait3A_176 : memref<32768xf32, #tpu.memory_space<hbm>>)
          tpu.yield
        }) : () -> ()
      } else {
      }
      %dma_wait3A_153 = arith.constant 0 : i32
      %dma_wait3A_154 = arith.constant 0 : i32
      %dma_wait3A_155 = tpu.memref_slice %arg4[%dma_wait3A_153, %dma_wait3A_154] : memref<32x1033xf32, #tpu.memory_space<vmem>> -> memref<32x1024xf32, #tpu.memory_space<vmem>>
      %dma_wait3A_156 = arith.constant 0 : i32
      %dma_wait3A_157 = tpu.memref_slice %arg2[%dma_wait3A_156, %mul3A_134] : memref<32x1000000xf32, #tpu.memory_space<hbm>> -> memref<32x1024xf32, #tpu.memory_space<hbm>>
      %dma_wait3A_158 = arith.constant 0 : i32
      %dma_wait3A_159 = arith.constant 0 : i32
      %dma_wait3A_160 = tpu.memref_slice %arg4[%dma_wait3A_158, %dma_wait3A_159] : memref<32x1033xf32, #tpu.memory_space<vmem>> -> memref<32x1024xf32, #tpu.memory_space<vmem>>
      %dma_wait3A_161 = arith.constant 0 : i32
      %dma_wait3A_162 = tpu.memref_slice %arg2[%dma_wait3A_161, %mul3A_134] : memref<32x1000000xf32, #tpu.memory_space<hbm>> -> memref<32x1024xf32, #tpu.memory_space<hbm>>
      tpu.wait_dma2 semaphore(%arg8 : memref<!tpu.dma_semaphore, #tpu.memory_space<semaphore_mem>>) src(%dma_wait3A_162 : memref<32x1024xf32, #tpu.memory_space<hbm>>) dst(%dma_wait3A_160 : memref<32x1024xf32, #tpu.memory_space<vmem>>)
      %while3A_163 = arith.constant 0 : i32
      scf.yield %while3A_163 : i32
    }
    %while3A_78 = arith.constant 1 : i32
    %while3A_79 = scf.for %while3A_82 = %while3A_75 to %while3A_71 step %while3A_78 iter_args(%while3A_83 = %while3A_77) -> (i32)  : i32 {
      %mul3A_84 = arith.constant 2 : i32
      %mul3A_85 = arith.muli %mul3A_84, %while3A_82 : i32
      %mul3A_86 = arith.constant 32 : i32
      %mul3A_87 = arith.muli %mul3A_85, %mul3A_86 : i32
      %add3A_88 = arith.addi %add3A, %mul3A_87 : i32
      %mul3A_89 = arith.constant 2 : i32
      %mul3A_90 = arith.muli %mul3A_89, %while3A_82 : i32
      %add3A_91 = arith.constant 1 : i32
      %add3A_92 = arith.addi %mul3A_90, %add3A_91 : i32
      %lt3A = arith.cmpi slt, %add3A_92, %select_n3A : i32
      %add3A_93 = arith.constant 32 : i32
      %add3A_94 = arith.addi %add3A_88, %add3A_93 : i32
      %select_n3A_95 = arith.select %lt3A, %add3A_94, %add3A : i32
      %mul3A_96 = arith.constant 1024 : i32
      %mul3A_97 = arith.muli %select_n3A_95, %mul3A_96 : i32
      %dma_start3A_98 = arith.constant 0 : i32
      %dma_start3A_99 = arith.constant 0 : i32
      %dma_start3A_100 = tpu.memref_slice %arg5[%dma_start3A_98, %dma_start3A_99] : memref<32x1033xf32, #tpu.memory_space<vmem>> -> memref<32x1024xf32, #tpu.memory_space<vmem>>
      %dma_start3A_101 = arith.constant 0 : i32
      %dma_start3A_102 = tpu.memref_slice %arg2[%dma_start3A_101, %mul3A_97] : memref<32x1000000xf32, #tpu.memory_space<hbm>> -> memref<32x1024xf32, #tpu.memory_space<hbm>>
      %dma_start3A_103 = arith.constant 0 : i32
      %dma_start3A_104 = arith.constant 0 : i32
      %dma_start3A_105 = tpu.memref_slice %arg5[%dma_start3A_103, %dma_start3A_104] : memref<32x1033xf32, #tpu.memory_space<vmem>> -> memref<32x1024xf32, #tpu.memory_space<vmem>>
      %dma_start3A_106 = arith.constant 0 : i32
      %dma_start3A_107 = tpu.memref_slice %arg2[%dma_start3A_106, %mul3A_97] : memref<32x1000000xf32, #tpu.memory_space<hbm>> -> memref<32x1024xf32, #tpu.memory_space<hbm>>
      tpu.enqueue_dma source(%dma_start3A_107 : memref<32x1024xf32, #tpu.memory_space<hbm>>) target(%dma_start3A_105 : memref<32x1024xf32, #tpu.memory_space<vmem>>) target_semaphore(%arg8 : memref<!tpu.dma_semaphore, #tpu.memory_space<semaphore_mem>>)
      %iota3A = tpu.iota {dimensions = array<i32: 0>} : vector<16xi32>
      %add3A_108 = arith.constant 16 : i32
      %add3A_109 = vector.broadcast %add3A_108 : i32 to vector<16xi32>
      %add3A_110 = arith.addi %iota3A, %add3A_109 : vector<16xi32>
      %parallel_loop3A = arith.constant 0 : i32
      %parallel_loop3A_111 = arith.constant 1024 : i32
      %parallel_loop3A_112 = arith.constant 1 : i32
      scf.for %parallel_loop3A_164 = %parallel_loop3A to %parallel_loop3A_111 step %parallel_loop3A_112  : i32 {
        %parallel_loop3A_165 = vector.broadcast %parallel_loop3A_164 : i32 to vector<16xi32>
        %parallel_loop3A_166 = tpu.vector_load_idx %arg4[%iota3A, %parallel_loop3A_165] : memref<32x1033xf32, #tpu.memory_space<vmem>>[vector<16xi32>, vector<16xi32>], vector<16xf32>,
        %parallel_loop3A_167 = tpu.vector_load_idx %arg4[%add3A_110, %parallel_loop3A_165] : memref<32x1033xf32, #tpu.memory_space<vmem>>[vector<16xi32>, vector<16xi32>], vector<16xf32>,
        %parallel_loop3A_168 = arith.constant 32 : i32
        %parallel_loop3A_169 = arith.muli %parallel_loop3A_164, %parallel_loop3A_168 : i32
        %parallel_loop3A_170 = arith.index_cast %parallel_loop3A_169 : i32 to index
        %parallel_loop3A_171 = tpu.vector_load %arg7[%parallel_loop3A_170] {strides = array<i32>} : memref<32768xf32, #tpu.memory_space<vmem>>, vector<16xf32>,
        tpu.vector_store %arg7[%parallel_loop3A_170], %parallel_loop3A_166 {strides = array<i32>} : memref<32768xf32, #tpu.memory_space<vmem>>, vector<16xf32>,
        %parallel_loop3A_172 = arith.constant 32 : i32
        %parallel_loop3A_173 = arith.muli %parallel_loop3A_164, %parallel_loop3A_172 : i32
        %parallel_loop3A_174 = arith.constant 16 : i32
        %parallel_loop3A_175 = arith.addi %parallel_loop3A_173, %parallel_loop3A_174 : i32
        %parallel_loop3A_176 = arith.index_cast %parallel_loop3A_175 : i32 to index
        %parallel_loop3A_177 = tpu.vector_load %arg7[%parallel_loop3A_176] {strides = array<i32>} : memref<32768xf32, #tpu.memory_space<vmem>>, vector<16xf32>,
        tpu.vector_store %arg7[%parallel_loop3A_176], %parallel_loop3A_167 {strides = array<i32>} : memref<32768xf32, #tpu.memory_space<vmem>>, vector<16xf32>,
      } {sc.loop_unroll_factor = 16 : i64, sc.parallel_access}
      %mul3A_113 = arith.constant 32768 : i32
      %mul3A_114 = arith.muli %add3A_88, %mul3A_113 : i32
      "tpu.region"() ({
        %run_scoped3A = tpu.sem_alloc : memref<!tpu.dma_semaphore, #tpu.memory_space<semaphore_mem>>
        %dma_start3A_164 = tpu.memref_slice %arg3[%mul3A_114] : memref<32000000xf32, #tpu.memory_space<hbm>> -> memref<32768xf32, #tpu.memory_space<hbm>>
        %dma_start3A_165 = tpu.memref_slice %arg3[%mul3A_114] : memref<32000000xf32, #tpu.memory_space<hbm>> -> memref<32768xf32, #tpu.memory_space<hbm>>
        tpu.enqueue_dma source(%arg7 : memref<32768xf32, #tpu.memory_space<vmem>>) target(%dma_start3A_165 : memref<32768xf32, #tpu.memory_space<hbm>>) target_semaphore(%run_scoped3A : memref<!tpu.dma_semaphore, #tpu.memory_space<semaphore_mem>>)
        %dma_wait3A_166 = tpu.memref_slice %arg3[%mul3A_114] : memref<32000000xf32, #tpu.memory_space<hbm>> -> memref<32768xf32, #tpu.memory_space<hbm>>
        %dma_wait3A_167 = tpu.memref_slice %arg3[%mul3A_114] : memref<32000000xf32, #tpu.memory_space<hbm>> -> memref<32768xf32, #tpu.memory_space<hbm>>
        tpu.wait_dma2 semaphore(%run_scoped3A : memref<!tpu.dma_semaphore, #tpu.memory_space<semaphore_mem>>) src(%arg7 : memref<32768xf32, #tpu.memory_space<vmem>>) dst(%dma_wait3A_167 : memref<32768xf32, #tpu.memory_space<hbm>>)
        tpu.yield
      }) : () -> ()
      %dma_wait3A_115 = arith.constant 0 : i32
      %dma_wait3A_116 = arith.constant 0 : i32
      %dma_wait3A_117 = tpu.memref_slice %arg5[%dma_wait3A_115, %dma_wait3A_116] : memref<32x1033xf32, #tpu.memory_space<vmem>> -> memref<32x1024xf32, #tpu.memory_space<vmem>>
      %dma_wait3A_118 = arith.constant 0 : i32
      %dma_wait3A_119 = tpu.memref_slice %arg2[%dma_wait3A_118, %mul3A_97] : memref<32x1000000xf32, #tpu.memory_space<hbm>> -> memref<32x1024xf32, #tpu.memory_space<hbm>>
      %dma_wait3A_120 = arith.constant 0 : i32
      %dma_wait3A_121 = arith.constant 0 : i32
      %dma_wait3A_122 = tpu.memref_slice %arg5[%dma_wait3A_120, %dma_wait3A_121] : memref<32x1033xf32, #tpu.memory_space<vmem>> -> memref<32x1024xf32, #tpu.memory_space<vmem>>
      %dma_wait3A_123 = arith.constant 0 : i32
      %dma_wait3A_124 = tpu.memref_slice %arg2[%dma_wait3A_123, %mul3A_97] : memref<32x1000000xf32, #tpu.memory_space<hbm>> -> memref<32x1024xf32, #tpu.memory_space<hbm>>
      tpu.wait_dma2 semaphore(%arg8 : memref<!tpu.dma_semaphore, #tpu.memory_space<semaphore_mem>>) src(%dma_wait3A_124 : memref<32x1024xf32, #tpu.memory_space<hbm>>) dst(%dma_wait3A_122 : memref<32x1024xf32, #tpu.memory_space<vmem>>)
      %mul3A_125 = arith.constant 2 : i32
      %mul3A_126 = arith.muli %mul3A_125, %while3A_82 : i32
      %add3A_127 = arith.constant 2 : i32
      %add3A_128 = arith.addi %mul3A_126, %add3A_127 : i32
      %lt3A_129 = arith.cmpi slt, %add3A_128, %select_n3A : i32
      %add3A_130 = arith.constant 64 : i32
      %add3A_131 = arith.addi %add3A_88, %add3A_130 : i32
      %select_n3A_132 = arith.select %lt3A_129, %add3A_131, %add3A : i32
      %mul3A_133 = arith.constant 1024 : i32
      %mul3A_134 = arith.muli %select_n3A_132, %mul3A_133 : i32
      %dma_start3A_135 = arith.constant 0 : i32
      %dma_start3A_136 = arith.constant 0 : i32
      %dma_start3A_137 = tpu.memref_slice %arg4[%dma_start3A_135, %dma_start3A_136] : memref<32x1033xf32, #tpu.memory_space<vmem>> -> memref<32x1024xf32, #tpu.memory_space<vmem>>
      %dma_start3A_138 = arith.constant 0 : i32
      %dma_start3A_139 = tpu.memref_slice %arg2[%dma_start3A_138, %mul3A_134] : memref<32x1000000xf32, #tpu.memory_space<hbm>> -> memref<32x1024xf32, #tpu.memory_space<hbm>>
      %dma_start3A_140 = arith.constant 0 : i32
      %dma_start3A_141 = arith.constant 0 : i32
      %dma_start3A_142 = tpu.memref_slice %arg4[%dma_start3A_140, %dma_start3A_141] : memref<32x1033xf32, #tpu.memory_space<vmem>> -> memref<32x1024xf32, #tpu.memory_space<vmem>>
      %dma_start3A_143 = arith.constant 0 : i32
      %dma_start3A_144 = tpu.memref_slice %arg2[%dma_start3A_143, %mul3A_134] : memref<32x1000000xf32, #tpu.memory_space<hbm>> -> memref<32x1024xf32, #tpu.memory_space<hbm>>
      tpu.enqueue_dma source(%dma_start3A_144 : memref<32x1024xf32, #tpu.memory_space<hbm>>) target(%dma_start3A_142 : memref<32x1024xf32, #tpu.memory_space<vmem>>) target_semaphore(%arg8 : memref<!tpu.dma_semaphore, #tpu.memory_space<semaphore_mem>>)
      %mul3A_145 = arith.constant 2 : i32
      %mul3A_146 = arith.muli %mul3A_145, %while3A_82 : i32
      %add3A_147 = arith.constant 1 : i32
      %add3A_148 = arith.addi %mul3A_146, %add3A_147 : i32
      %lt3A_149 = arith.cmpi slt, %add3A_148, %select_n3A : i32
      %convert_element_type3A_150 = arith.extui %lt3A_149 : i1 to i32
      %cond3A_151 = arith.constant 0 : i32
      %cond3A_152 = arith.cmpi ne, %convert_element_type3A_150, %cond3A_151 : i32
      scf.if %cond3A_152 {
        %iota3A_164 = tpu.iota {dimensions = array<i32: 0>} : vector<16xi32>
        %add3A_165 = arith.constant 16 : i32
        %add3A_166 = vector.broadcast %add3A_165 : i32 to vector<16xi32>
        %add3A_167 = arith.addi %iota3A_164, %add3A_166 : vector<16xi32>
        %parallel_loop3A_168 = arith.constant 0 : i32
        %parallel_loop3A_169 = arith.constant 1024 : i32
        %parallel_loop3A_170 = arith.constant 1 : i32
        scf.for %parallel_loop3A_173 = %parallel_loop3A_168 to %parallel_loop3A_169 step %parallel_loop3A_170  : i32 {
          %parallel_loop3A_174 = vector.broadcast %parallel_loop3A_173 : i32 to vector<16xi32>
          %parallel_loop3A_175 = tpu.vector_load_idx %arg5[%iota3A_164, %parallel_loop3A_174] : memref<32x1033xf32, #tpu.memory_space<vmem>>[vector<16xi32>, vector<16xi32>], vector<16xf32>,
          %parallel_loop3A_176 = tpu.vector_load_idx %arg5[%add3A_167, %parallel_loop3A_174] : memref<32x1033xf32, #tpu.memory_space<vmem>>[vector<16xi32>, vector<16xi32>], vector<16xf32>,
          %parallel_loop3A_177 = arith.constant 32 : i32
          %parallel_loop3A_178 = arith.muli %parallel_loop3A_173, %parallel_loop3A_177 : i32
          %parallel_loop3A_179 = arith.index_cast %parallel_loop3A_178 : i32 to index
          %parallel_loop3A_180 = tpu.vector_load %arg7[%parallel_loop3A_179] {strides = array<i32>} : memref<32768xf32, #tpu.memory_space<vmem>>, vector<16xf32>,
          tpu.vector_store %arg7[%parallel_loop3A_179], %parallel_loop3A_175 {strides = array<i32>} : memref<32768xf32, #tpu.memory_space<vmem>>, vector<16xf32>,
          %parallel_loop3A_181 = arith.constant 32 : i32
          %parallel_loop3A_182 = arith.muli %parallel_loop3A_173, %parallel_loop3A_181 : i32
          %parallel_loop3A_183 = arith.constant 16 : i32
          %parallel_loop3A_184 = arith.addi %parallel_loop3A_182, %parallel_loop3A_183 : i32
          %parallel_loop3A_185 = arith.index_cast %parallel_loop3A_184 : i32 to index
          %parallel_loop3A_186 = tpu.vector_load %arg7[%parallel_loop3A_185] {strides = array<i32>} : memref<32768xf32, #tpu.memory_space<vmem>>, vector<16xf32>,
          tpu.vector_store %arg7[%parallel_loop3A_185], %parallel_loop3A_176 {strides = array<i32>} : memref<32768xf32, #tpu.memory_space<vmem>>, vector<16xf32>,
        } {sc.loop_unroll_factor = 16 : i64, sc.parallel_access}
        %mul3A_171 = arith.constant 32768 : i32
        %mul3A_172 = arith.muli %select_n3A_95, %mul3A_171 : i32
        "tpu.region"() ({
          %run_scoped3A = tpu.sem_alloc : memref<!tpu.dma_semaphore, #tpu.memory_space<semaphore_mem>>
          %dma_start3A_173 = tpu.memref_slice %arg3[%mul3A_172] : memref<32000000xf32, #tpu.memory_space<hbm>> -> memref<32768xf32, #tpu.memory_space<hbm>>
          %dma_start3A_174 = tpu.memref_slice %arg3[%mul3A_172] : memref<32000000xf32, #tpu.memory_space<hbm>> -> memref<32768xf32, #tpu.memory_space<hbm>>
          tpu.enqueue_dma source(%arg7 : memref<32768xf32, #tpu.memory_space<vmem>>) target(%dma_start3A_174 : memref<32768xf32, #tpu.memory_space<hbm>>) target_semaphore(%run_scoped3A : memref<!tpu.dma_semaphore, #tpu.memory_space<semaphore_mem>>)
          %dma_wait3A_175 = tpu.memref_slice %arg3[%mul3A_172] : memref<32000000xf32, #tpu.memory_space<hbm>> -> memref<32768xf32, #tpu.memory_space<hbm>>
          %dma_wait3A_176 = tpu.memref_slice %arg3[%mul3A_172] : memref<32000000xf32, #tpu.memory_space<hbm>> -> memref<32768xf32, #tpu.memory_space<hbm>>
          tpu.wait_dma2 semaphore(%run_scoped3A : memref<!tpu.dma_semaphore, #tpu.memory_space<semaphore_mem>>) src(%arg7 : memref<32768xf32, #tpu.memory_space<vmem>>) dst(%dma_wait3A_176 : memref<32768xf32, #tpu.memory_space<hbm>>)
          tpu.yield
        }) : () -> ()
      } else {
      }
      %dma_wait3A_153 = arith.constant 0 : i32
      %dma_wait3A_154 = arith.constant 0 : i32
      %dma_wait3A_155 = tpu.memref_slice %arg4[%dma_wait3A_153, %dma_wait3A_154] : memref<32x1033xf32, #tpu.memory_space<vmem>> -> memref<32x1024xf32, #tpu.memory_space<vmem>>
      %dma_wait3A_156 = arith.constant 0 : i32
      %dma_wait3A_157 = tpu.memref_slice %arg2[%dma_wait3A_156, %mul3A_134] : memref<32x1000000xf32, #tpu.memory_space<hbm>> -> memref<32x1024xf32, #tpu.memory_space<hbm>>
      %dma_wait3A_158 = arith.constant 0 : i32
      %dma_wait3A_159 = arith.constant 0 : i32
      %dma_wait3A_160 = tpu.memref_slice %arg4[%dma_wait3A_158, %dma_wait3A_159] : memref<32x1033xf32, #tpu.memory_space<vmem>> -> memref<32x1024xf32, #tpu.memory_space<vmem>>
      %dma_wait3A_161 = arith.constant 0 : i32
      %dma_wait3A_162 = tpu.memref_slice %arg2[%dma_wait3A_161, %mul3A_134] : memref<32x1000000xf32, #tpu.memory_space<hbm>> -> memref<32x1024xf32, #tpu.memory_space<hbm>>
      tpu.wait_dma2 semaphore(%arg8 : memref<!tpu.dma_semaphore, #tpu.memory_space<semaphore_mem>>) src(%dma_wait3A_162 : memref<32x1024xf32, #tpu.memory_space<hbm>>) dst(%dma_wait3A_160 : memref<32x1024xf32, #tpu.memory_space<vmem>>)
      %while3A_163 = arith.constant 0 : i32
      scf.yield %while3A_163 : i32
    }
    %eq3A = arith.constant 0 : i32
    %eq3A_80 = arith.cmpi eq, %add3A, %eq3A : i32
    %convert_element_type3A = arith.extui %eq3A_80 : i1 to i32
    %cond3A = arith.constant 0 : i32
    %cond3A_81 = arith.cmpi ne, %convert_element_type3A, %cond3A : i32
    scf.if %cond3A_81 {
      %dma_start3A_82 = arith.constant 0 : i32
      %dma_start3A_83 = arith.constant 999424 : i32
      %dma_start3A_84 = tpu.memref_slice %arg2[%dma_start3A_82, %dma_start3A_83] : memref<32x1000000xf32, #tpu.memory_space<hbm>> -> memref<32x576xf32, #tpu.memory_space<hbm>>
      %dma_start3A_85 = arith.constant 0 : i32
      %dma_start3A_86 = arith.constant 999424 : i32
      %dma_start3A_87 = tpu.memref_slice %arg2[%dma_start3A_85, %dma_start3A_86] : memref<32x1000000xf32, #tpu.memory_space<hbm>> -> memref<32x576xf32, #tpu.memory_space<hbm>>
      tpu.enqueue_dma source(%dma_start3A_87 : memref<32x576xf32, #tpu.memory_space<hbm>>) target(%arg6 : memref<32x576xf32, #tpu.memory_space<vmem>>) target_semaphore(%arg8 : memref<!tpu.dma_semaphore, #tpu.memory_space<semaphore_mem>>)
      %dma_wait3A_88 = arith.constant 0 : i32
      %dma_wait3A_89 = arith.constant 999424 : i32
      %dma_wait3A_90 = tpu.memref_slice %arg2[%dma_wait3A_88, %dma_wait3A_89] : memref<32x1000000xf32, #tpu.memory_space<hbm>> -> memref<32x576xf32, #tpu.memory_space<hbm>>
      %dma_wait3A_91 = arith.constant 0 : i32
      %dma_wait3A_92 = arith.constant 999424 : i32
      %dma_wait3A_93 = tpu.memref_slice %arg2[%dma_wait3A_91, %dma_wait3A_92] : memref<32x1000000xf32, #tpu.memory_space<hbm>> -> memref<32x576xf32, #tpu.memory_space<hbm>>
      tpu.wait_dma2 semaphore(%arg8 : memref<!tpu.dma_semaphore, #tpu.memory_space<semaphore_mem>>) src(%dma_wait3A_93 : memref<32x576xf32, #tpu.memory_space<hbm>>) dst(%arg6 : memref<32x576xf32, #tpu.memory_space<vmem>>)
      %iota3A = tpu.iota {dimensions = array<i32: 0>} : vector<16xi32>
      %add3A_94 = arith.constant 16 : i32
      %add3A_95 = vector.broadcast %add3A_94 : i32 to vector<16xi32>
      %add3A_96 = arith.addi %iota3A, %add3A_95 : vector<16xi32>
      %parallel_loop3A = arith.constant 0 : i32
      %parallel_loop3A_97 = arith.constant 576 : i32
      %parallel_loop3A_98 = arith.constant 1 : i32
      scf.for %parallel_loop3A_99 = %parallel_loop3A to %parallel_loop3A_97 step %parallel_loop3A_98  : i32 {
        %parallel_loop3A_100 = vector.broadcast %parallel_loop3A_99 : i32 to vector<16xi32>
        %parallel_loop3A_101 = tpu.vector_load_idx %arg6[%iota3A, %parallel_loop3A_100] : memref<32x576xf32, #tpu.memory_space<vmem>>[vector<16xi32>, vector<16xi32>], vector<16xf32>,
        %parallel_loop3A_102 = tpu.vector_load_idx %arg6[%add3A_96, %parallel_loop3A_100] : memref<32x576xf32, #tpu.memory_space<vmem>>[vector<16xi32>, vector<16xi32>], vector<16xf32>,
        %parallel_loop3A_103 = arith.constant 32 : i32
        %parallel_loop3A_104 = arith.muli %parallel_loop3A_99, %parallel_loop3A_103 : i32
        %parallel_loop3A_105 = arith.index_cast %parallel_loop3A_104 : i32 to index
        %parallel_loop3A_106 = tpu.vector_load %arg7[%parallel_loop3A_105] {strides = array<i32>} : memref<32768xf32, #tpu.memory_space<vmem>>, vector<16xf32>,
        tpu.vector_store %arg7[%parallel_loop3A_105], %parallel_loop3A_101 {strides = array<i32>} : memref<32768xf32, #tpu.memory_space<vmem>>, vector<16xf32>,
        %parallel_loop3A_107 = arith.constant 32 : i32
        %parallel_loop3A_108 = arith.muli %parallel_loop3A_99, %parallel_loop3A_107 : i32
        %parallel_loop3A_109 = arith.constant 16 : i32
        %parallel_loop3A_110 = arith.addi %parallel_loop3A_108, %parallel_loop3A_109 : i32
        %parallel_loop3A_111 = arith.index_cast %parallel_loop3A_110 : i32 to index
        %parallel_loop3A_112 = tpu.vector_load %arg7[%parallel_loop3A_111] {strides = array<i32>} : memref<32768xf32, #tpu.memory_space<vmem>>, vector<16xf32>,
        tpu.vector_store %arg7[%parallel_loop3A_111], %parallel_loop3A_102 {strides = array<i32>} : memref<32768xf32, #tpu.memory_space<vmem>>, vector<16xf32>,
      } {sc.loop_unroll_factor = 16 : i64, sc.parallel_access}
      "tpu.region"() ({
        %run_scoped3A = tpu.sem_alloc : memref<!tpu.dma_semaphore, #tpu.memory_space<semaphore_mem>>
        %dma_start3A_99 = arith.constant 0 : i32
        %dma_start3A_100 = tpu.memref_slice %arg7[%dma_start3A_99] : memref<32768xf32, #tpu.memory_space<vmem>> -> memref<18432xf32, #tpu.memory_space<vmem>>
        %dma_start3A_101 = arith.constant 31981568 : i32
        %dma_start3A_102 = tpu.memref_slice %arg3[%dma_start3A_101] : memref<32000000xf32, #tpu.memory_space<hbm>> -> memref<18432xf32, #tpu.memory_space<hbm>>
        %dma_start3A_103 = arith.constant 31981568 : i32
        %dma_start3A_104 = tpu.memref_slice %arg3[%dma_start3A_103] : memref<32000000xf32, #tpu.memory_space<hbm>> -> memref<18432xf32, #tpu.memory_space<hbm>>
        %dma_start3A_105 = arith.constant 0 : i32
        %dma_start3A_106 = tpu.memref_slice %arg7[%dma_start3A_105] : memref<32768xf32, #tpu.memory_space<vmem>> -> memref<18432xf32, #tpu.memory_space<vmem>>
        tpu.enqueue_dma source(%dma_start3A_106 : memref<18432xf32, #tpu.memory_space<vmem>>) target(%dma_start3A_104 : memref<18432xf32, #tpu.memory_space<hbm>>) target_semaphore(%run_scoped3A : memref<!tpu.dma_semaphore, #tpu.memory_space<semaphore_mem>>)
        %dma_wait3A_107 = arith.constant 0 : i32
        %dma_wait3A_108 = tpu.memref_slice %arg7[%dma_wait3A_107] : memref<32768xf32, #tpu.memory_space<vmem>> -> memref<18432xf32, #tpu.memory_space<vmem>>
        %dma_wait3A_109 = arith.constant 31981568 : i32
        %dma_wait3A_110 = tpu.memref_slice %arg3[%dma_wait3A_109] : memref<32000000xf32, #tpu.memory_space<hbm>> -> memref<18432xf32, #tpu.memory_space<hbm>>
        %dma_wait3A_111 = arith.constant 31981568 : i32
        %dma_wait3A_112 = tpu.memref_slice %arg3[%dma_wait3A_111] : memref<32000000xf32, #tpu.memory_space<hbm>> -> memref<18432xf32, #tpu.memory_space<hbm>>
        %dma_wait3A_113 = arith.constant 0 : i32
        %dma_wait3A_114 = tpu.memref_slice %arg7[%dma_wait3A_113] : memref<32768xf32, #tpu.memory_space<vmem>> -> memref<18432xf32, #tpu.memory_space<vmem>>
        tpu.wait_dma2 semaphore(%run_scoped3A : memref<!tpu.dma_semaphore, #tpu.memory_space<semaphore_mem>>) src(%dma_wait3A_114 : memref<18432xf32, #tpu.memory_space<vmem>>) dst(%dma_wait3A_112 : memref<18432xf32, #tpu.memory_space<hbm>>)
        tpu.yield
      }) : () -> ()
    } else {
    }
    return
  }
}

#map = affine_map<(d0, d1) -> (0)>
#map1 = affine_map<(d0, d1) -> (0, 0)>
module attributes {stable_mosaic.version = 14 : i64} {
  func.func @_sc_gather(%arg0: i32, %arg1: i32, %arg2: memref<425984xi32, #tpu.memory_space<hbm>>, %arg3: memref<1000000x32xf32, #tpu.memory_space<hbm>>, %arg4: memref<425984x32xf32, #tpu.memory_space<hbm>>, %arg5: memref<13312xi32, #tpu.memory_space<vmem>>, %arg6: memref<128x32xf32, #tpu.memory_space<vmem>>, %arg7: memref<128x32xf32, #tpu.memory_space<vmem>>, %arg8: memref<!tpu.dma_semaphore, #tpu.memory_space<semaphore_mem>>) attributes {dimension_semantics = [#tpu.dimension_semantics<core_parallel>, #tpu.dimension_semantics<subcore_parallel>], iteration_bounds = array<i64: 2, 16>, scalar_prefetch = 0 : i64, scratch_operands = 4 : i64, tpu.core_type = #tpu.core_type<sc_vector_subcore>, window_params = [{transform_indices = #map}, {transform_indices = #map1}, {transform_indices = #map1}]} {
    %mul3A = arith.constant 2 : i32
    %mul3A_0 = arith.muli %arg1, %mul3A : i32
    %add3A = arith.addi %mul3A_0, %arg0 : i32
    %mul3A_1 = arith.constant 13312 : i32
    %mul3A_2 = arith.muli %add3A, %mul3A_1 : i32
    "tpu.region"() ({
      %run_scoped3A = tpu.sem_alloc : memref<!tpu.dma_semaphore, #tpu.memory_space<semaphore_mem>>
      %dma_start3A_17 = tpu.memref_slice %arg2[%mul3A_2] : memref<425984xi32, #tpu.memory_space<hbm>> -> memref<13312xi32, #tpu.memory_space<hbm>>
      %dma_start3A_18 = tpu.memref_slice %arg2[%mul3A_2] : memref<425984xi32, #tpu.memory_space<hbm>> -> memref<13312xi32, #tpu.memory_space<hbm>>
      tpu.enqueue_dma source(%dma_start3A_18 : memref<13312xi32, #tpu.memory_space<hbm>>) target(%arg5 : memref<13312xi32, #tpu.memory_space<vmem>>) target_semaphore(%run_scoped3A : memref<!tpu.dma_semaphore, #tpu.memory_space<semaphore_mem>>)
      %dma_wait3A_19 = tpu.memref_slice %arg2[%mul3A_2] : memref<425984xi32, #tpu.memory_space<hbm>> -> memref<13312xi32, #tpu.memory_space<hbm>>
      %dma_wait3A_20 = tpu.memref_slice %arg2[%mul3A_2] : memref<425984xi32, #tpu.memory_space<hbm>> -> memref<13312xi32, #tpu.memory_space<hbm>>
      tpu.wait_dma2 semaphore(%run_scoped3A : memref<!tpu.dma_semaphore, #tpu.memory_space<semaphore_mem>>) src(%dma_wait3A_20 : memref<13312xi32, #tpu.memory_space<hbm>>) dst(%arg5 : memref<13312xi32, #tpu.memory_space<vmem>>)
      tpu.yield
    }) : () -> ()
    %dma_start3A = arith.constant 0 : i32
    %dma_start3A_3 = tpu.memref_slice %arg5[%dma_start3A] : memref<13312xi32, #tpu.memory_space<vmem>> -> memref<128xi32, #tpu.memory_space<vmem>>
    %dma_start3A_4 = arith.constant 0 : i32
    %dma_start3A_5 = arith.constant 0 : i32
    %dma_start3A_6 = tpu.memref_slice %arg3[%dma_start3A_4, %dma_start3A_5] : memref<1000000x32xf32, #tpu.memory_space<hbm>> -> memref<1000000x32xf32, #tpu.memory_space<hbm>>
    tpu.enqueue_indirect_dma source(%dma_start3A_6 : memref<1000000x32xf32, #tpu.memory_space<hbm>>) target(%arg6 : memref<128x32xf32, #tpu.memory_space<vmem>>) offsets(%dma_start3A_3 : memref<128xi32, #tpu.memory_space<vmem>>) semaphore(%arg8 : memref<!tpu.dma_semaphore, #tpu.memory_space<semaphore_mem>>)
    %dma_wait3A = arith.constant 0 : i32
    %dma_wait3A_7 = tpu.memref_slice %arg5[%dma_wait3A] : memref<13312xi32, #tpu.memory_space<vmem>> -> memref<128xi32, #tpu.memory_space<vmem>>
    %dma_wait3A_8 = arith.constant 0 : i32
    %dma_wait3A_9 = arith.constant 0 : i32
    %dma_wait3A_10 = tpu.memref_slice %arg3[%dma_wait3A_8, %dma_wait3A_9] : memref<1000000x32xf32, #tpu.memory_space<hbm>> -> memref<1000000x32xf32, #tpu.memory_space<hbm>>
    tpu.wait_indirect_dma semaphore(%arg8 : memref<!tpu.dma_semaphore, #tpu.memory_space<semaphore_mem>>) src(%dma_wait3A_10 : memref<1000000x32xf32, #tpu.memory_space<hbm>>) dst(%arg6 : memref<128x32xf32, #tpu.memory_space<vmem>>)
    %scan3A = arith.constant 0 : i32
    %scan3A_11 = arith.constant 0 : i32
    %scan3A_12 = arith.constant 52 : i32
    %scan3A_13 = arith.addi %scan3A_11, %scan3A_12 : i32
    %scan3A_14 = arith.constant 1 : i32
    %scan3A_15 = scf.for %scan3A_17 = %scan3A_11 to %scan3A_13 step %scan3A_14 iter_args(%scan3A_18 = %scan3A) -> (i32)  : i32 {
      %mul3A_19 = arith.constant 2 : i32
      %mul3A_20 = arith.muli %mul3A_19, %scan3A_17 : i32
      %add3A_21 = arith.constant 1 : i32
      %add3A_22 = arith.addi %mul3A_20, %add3A_21 : i32
      %lt3A = arith.constant 104 : i32
      %lt3A_23 = arith.cmpi slt, %add3A_22, %lt3A : i32
      %add3A_24 = arith.constant 1 : i32
      %add3A_25 = arith.addi %mul3A_20, %add3A_24 : i32
      %jit3A = arith.constant 0 : i32
      %select_n3A = arith.select %lt3A_23, %add3A_25, %jit3A : i32
      %mul3A_26 = arith.constant 128 : i32
      %mul3A_27 = arith.muli %select_n3A, %mul3A_26 : i32
      %dma_start3A_28 = tpu.memref_slice %arg5[%mul3A_27] : memref<13312xi32, #tpu.memory_space<vmem>> -> memref<128xi32, #tpu.memory_space<vmem>>
      %dma_start3A_29 = arith.constant 0 : i32
      %dma_start3A_30 = arith.constant 0 : i32
      %dma_start3A_31 = tpu.memref_slice %arg3[%dma_start3A_29, %dma_start3A_30] : memref<1000000x32xf32, #tpu.memory_space<hbm>> -> memref<1000000x32xf32, #tpu.memory_space<hbm>>
      tpu.enqueue_indirect_dma source(%dma_start3A_31 : memref<1000000x32xf32, #tpu.memory_space<hbm>>) target(%arg7 : memref<128x32xf32, #tpu.memory_space<vmem>>) offsets(%dma_start3A_28 : memref<128xi32, #tpu.memory_space<vmem>>) semaphore(%arg8 : memref<!tpu.dma_semaphore, #tpu.memory_space<semaphore_mem>>)
      %mul3A_32 = arith.constant 128 : i32
      %mul3A_33 = arith.muli %mul3A_20, %mul3A_32 : i32
      %add3A_34 = arith.addi %mul3A_2, %mul3A_33 : i32
      "tpu.region"() ({
        %run_scoped3A = tpu.sem_alloc : memref<!tpu.dma_semaphore, #tpu.memory_space<semaphore_mem>>
        %dma_start3A_63 = arith.constant 0 : i32
        %dma_start3A_64 = tpu.memref_slice %arg4[%add3A_34, %dma_start3A_63] : memref<425984x32xf32, #tpu.memory_space<hbm>> -> memref<128x32xf32, #tpu.memory_space<hbm>>
        %dma_start3A_65 = arith.constant 0 : i32
        %dma_start3A_66 = tpu.memref_slice %arg4[%add3A_34, %dma_start3A_65] : memref<425984x32xf32, #tpu.memory_space<hbm>> -> memref<128x32xf32, #tpu.memory_space<hbm>>
        tpu.enqueue_dma source(%arg6 : memref<128x32xf32, #tpu.memory_space<vmem>>) target(%dma_start3A_66 : memref<128x32xf32, #tpu.memory_space<hbm>>) target_semaphore(%run_scoped3A : memref<!tpu.dma_semaphore, #tpu.memory_space<semaphore_mem>>)
        %dma_wait3A_67 = arith.constant 0 : i32
        %dma_wait3A_68 = tpu.memref_slice %arg4[%add3A_34, %dma_wait3A_67] : memref<425984x32xf32, #tpu.memory_space<hbm>> -> memref<128x32xf32, #tpu.memory_space<hbm>>
        %dma_wait3A_69 = arith.constant 0 : i32
        %dma_wait3A_70 = tpu.memref_slice %arg4[%add3A_34, %dma_wait3A_69] : memref<425984x32xf32, #tpu.memory_space<hbm>> -> memref<128x32xf32, #tpu.memory_space<hbm>>
        tpu.wait_dma2 semaphore(%run_scoped3A : memref<!tpu.dma_semaphore, #tpu.memory_space<semaphore_mem>>) src(%arg6 : memref<128x32xf32, #tpu.memory_space<vmem>>) dst(%dma_wait3A_70 : memref<128x32xf32, #tpu.memory_space<hbm>>)
        tpu.yield
      }) : () -> ()
      %dma_wait3A_35 = tpu.memref_slice %arg5[%mul3A_27] : memref<13312xi32, #tpu.memory_space<vmem>> -> memref<128xi32, #tpu.memory_space<vmem>>
      %dma_wait3A_36 = arith.constant 0 : i32
      %dma_wait3A_37 = arith.constant 0 : i32
      %dma_wait3A_38 = tpu.memref_slice %arg3[%dma_wait3A_36, %dma_wait3A_37] : memref<1000000x32xf32, #tpu.memory_space<hbm>> -> memref<1000000x32xf32, #tpu.memory_space<hbm>>
      tpu.wait_indirect_dma semaphore(%arg8 : memref<!tpu.dma_semaphore, #tpu.memory_space<semaphore_mem>>) src(%dma_wait3A_38 : memref<1000000x32xf32, #tpu.memory_space<hbm>>) dst(%arg7 : memref<128x32xf32, #tpu.memory_space<vmem>>)
      %add3A_39 = arith.constant 2 : i32
      %add3A_40 = arith.addi %mul3A_20, %add3A_39 : i32
      %lt3A_41 = arith.constant 104 : i32
      %lt3A_42 = arith.cmpi slt, %add3A_40, %lt3A_41 : i32
      %add3A_43 = arith.constant 2 : i32
      %add3A_44 = arith.addi %mul3A_20, %add3A_43 : i32
      %jit3A_45 = arith.constant 0 : i32
      %select_n3A_46 = arith.select %lt3A_42, %add3A_44, %jit3A_45 : i32
      %mul3A_47 = arith.constant 128 : i32
      %mul3A_48 = arith.muli %select_n3A_46, %mul3A_47 : i32
      %dma_start3A_49 = tpu.memref_slice %arg5[%mul3A_48] : memref<13312xi32, #tpu.memory_space<vmem>> -> memref<128xi32, #tpu.memory_space<vmem>>
      %dma_start3A_50 = arith.constant 0 : i32
      %dma_start3A_51 = arith.constant 0 : i32
      %dma_start3A_52 = tpu.memref_slice %arg3[%dma_start3A_50, %dma_start3A_51] : memref<1000000x32xf32, #tpu.memory_space<hbm>> -> memref<1000000x32xf32, #tpu.memory_space<hbm>>
      tpu.enqueue_indirect_dma source(%dma_start3A_52 : memref<1000000x32xf32, #tpu.memory_space<hbm>>) target(%arg6 : memref<128x32xf32, #tpu.memory_space<vmem>>) offsets(%dma_start3A_49 : memref<128xi32, #tpu.memory_space<vmem>>) semaphore(%arg8 : memref<!tpu.dma_semaphore, #tpu.memory_space<semaphore_mem>>)
      %add3A_53 = arith.constant 1 : i32
      %add3A_54 = arith.addi %mul3A_20, %add3A_53 : i32
      %lt3A_55 = arith.constant 104 : i32
      %lt3A_56 = arith.cmpi slt, %add3A_54, %lt3A_55 : i32
      %convert_element_type3A = arith.extui %lt3A_56 : i1 to i32
      %cond3A = arith.constant 0 : i32
      %cond3A_57 = arith.cmpi ne, %convert_element_type3A, %cond3A : i32
      scf.if %cond3A_57 {
        %add3A_63 = arith.constant 1 : i32
        %add3A_64 = arith.addi %mul3A_20, %add3A_63 : i32
        %mul3A_65 = arith.constant 128 : i32
        %mul3A_66 = arith.muli %add3A_64, %mul3A_65 : i32
        %add3A_67 = arith.addi %mul3A_2, %mul3A_66 : i32
        "tpu.region"() ({
          %run_scoped3A = tpu.sem_alloc : memref<!tpu.dma_semaphore, #tpu.memory_space<semaphore_mem>>
          %dma_start3A_68 = arith.constant 0 : i32
          %dma_start3A_69 = tpu.memref_slice %arg4[%add3A_67, %dma_start3A_68] : memref<425984x32xf32, #tpu.memory_space<hbm>> -> memref<128x32xf32, #tpu.memory_space<hbm>>
          %dma_start3A_70 = arith.constant 0 : i32
          %dma_start3A_71 = tpu.memref_slice %arg4[%add3A_67, %dma_start3A_70] : memref<425984x32xf32, #tpu.memory_space<hbm>> -> memref<128x32xf32, #tpu.memory_space<hbm>>
          tpu.enqueue_dma source(%arg7 : memref<128x32xf32, #tpu.memory_space<vmem>>) target(%dma_start3A_71 : memref<128x32xf32, #tpu.memory_space<hbm>>) target_semaphore(%run_scoped3A : memref<!tpu.dma_semaphore, #tpu.memory_space<semaphore_mem>>)
          %dma_wait3A_72 = arith.constant 0 : i32
          %dma_wait3A_73 = tpu.memref_slice %arg4[%add3A_67, %dma_wait3A_72] : memref<425984x32xf32, #tpu.memory_space<hbm>> -> memref<128x32xf32, #tpu.memory_space<hbm>>
          %dma_wait3A_74 = arith.constant 0 : i32
          %dma_wait3A_75 = tpu.memref_slice %arg4[%add3A_67, %dma_wait3A_74] : memref<425984x32xf32, #tpu.memory_space<hbm>> -> memref<128x32xf32, #tpu.memory_space<hbm>>
          tpu.wait_dma2 semaphore(%run_scoped3A : memref<!tpu.dma_semaphore, #tpu.memory_space<semaphore_mem>>) src(%arg7 : memref<128x32xf32, #tpu.memory_space<vmem>>) dst(%dma_wait3A_75 : memref<128x32xf32, #tpu.memory_space<hbm>>)
          tpu.yield
        }) : () -> ()
      } else {
      }
      %dma_wait3A_58 = tpu.memref_slice %arg5[%mul3A_48] : memref<13312xi32, #tpu.memory_space<vmem>> -> memref<128xi32, #tpu.memory_space<vmem>>
      %dma_wait3A_59 = arith.constant 0 : i32
      %dma_wait3A_60 = arith.constant 0 : i32
      %dma_wait3A_61 = tpu.memref_slice %arg3[%dma_wait3A_59, %dma_wait3A_60] : memref<1000000x32xf32, #tpu.memory_space<hbm>> -> memref<1000000x32xf32, #tpu.memory_space<hbm>>
      tpu.wait_indirect_dma semaphore(%arg8 : memref<!tpu.dma_semaphore, #tpu.memory_space<semaphore_mem>>) src(%dma_wait3A_61 : memref<1000000x32xf32, #tpu.memory_space<hbm>>) dst(%arg6 : memref<128x32xf32, #tpu.memory_space<vmem>>)
      %scan3A_62 = arith.constant 0 : i32
      scf.yield %scan3A_62 : i32
    }
    %scan3A_16 = arith.constant 52 : i32
    return
  }
}

</mosaic_0001>

<sc_bundles>
// kernel: kernel.4.cloned.1.call-start
scs
__scs_entry_jumppad:
0x0: {  	(pc) =	sbr.rel $0x88, $3  }
0x1: {  	(tag) =	ssettag $0x0;
	lr =	simm.s32 $0x1  }
0x2: {  	[smem:$0x3F9F] =	sst lr;
	_ =	strace $0xD0000000  }
0x3: {  	_ = 	snop  }
0x4: {  	_ = 	snop  }
0x5: {  	_ = 	snop  }
0x6: {  	_ = 	snop  }
0x7: {  	_ = 	snop  }
__scs_overlays_trampoline_lowered:
0x8: {  	[smem:$0x3FAE] =	sst s0  }
0x9: {  	[smem:$0x3FAF] =	sst s1  }
0xa: {  	[smem:$0x3FB0] =	sst s2  }
0xb: {  	[smem:$0x3FB1] =	sst s3  }
0xc: {  	[smem:$0x3FB2] =	sst s4  }
0xd: {  	[smem:$0x3FB3] =	sst s5  }
0xe: {  	[smem:$0x3FB4] =	sst s6  }
0xf: {  	[smem:$0x3FB5] =	sst s7  }
0x10: {  	[smem:$0x3FB6] =	sst s8  }
0x11: {  	[smem:$0x3FB7] =	sst s9;
	s0 =	simm.s32 @!p0 $0x0  }
0x12: {  	s1 =	sld [smem:$0x3F9D];
	s0 =	simm.s32 @p0 $0x1  }
0x13: {  	[smem:$0x3FB8] =	sst s0;
	s0 =	simm.s32 @!p1 $0x0  }
0x14: {  	s2 =	sld [smem:$0x3F9C];
	s0 =	simm.s32 @p1 $0x1  }
0x15: {  	[smem:$0x3FB9] =	sst s0;
	s0 =	simm.s32 @!p2 $0x0  }
0x16: {  	s3 =	sld [smem:$0x3FDB];
	s0 =	simm.s32 @p2 $0x1  }
0x17: {  	s4 =	simm.s32 $0x1BF5;
	[smem:$0x3FBB] =	sst s0  }
0x18: {  	s0 =	sld [smem:$0x3F9E];
	_ =	swait.ge [sflag:s4], $0x0  }
0x19: {  	s7 =	sld [smem:$0x3F9F]  }
0x1a: {  	s8 =	sadd.s32 $0xFFFFE003, lr  }
0x1b: {  	s9 =	sadd.s32 $0xFFFFFEF7, lr;
	s5 =	simm.s32 $0xFFFFFFFF;
	p2 =	slt.u32 s8, $0xFFFFF086  }
0x1c: {  	p1 =	slt.u32 s9, $0xF7A;
	s5 =	simm.s32 @!p2 $0x0  }
0x1d: {  	s5 =	simm.s32 @p1 $0x1;
	p0 =	seq.s32 s7, s2  }
0x1e: {  	s7 =	smul.u32 @!p0 $0xF7A, s2;
	p2 =	seq.s32 @!p0 s5, $0x0  }
0x1f: {  	s9 =	smul.u32 $0xF7A, s1;
	s8 =	simm.s32 @!p0 $0x1BF5;
	p2 =	por !p2, p0  }
0x20: {  	[sflag:s8] =	ssyncset.s32 @!p0 $0xFFFFF086;
	s6 =	sadd.s32 @!p0 s3, s7;
	s7 =	simm.s32 @!p0 $0x108  }
0x21: {  	s3 =	sadd.s32 s3, s9;
	s6 =	sadd.s32 @!p0 $0x88, s6;
	s7 =	simm.s32 @p2 $0x1082  }
0x22: {  	[simem:s7], [sflag:s8] =	dma.local @!p0 [hbm:s6], $0xF7A  }
0x23: {  	s9 =	sor.u32 $0xD0000000, s2;
	s6 =	simm.s32 $0x108;
	_ =	swait.ge @!p0 [sflag:s8], $0x0  }
0x24: {  	s3 =	sadd.s32 $0x88, s3;
	s6 =	simm.s32 @!p1 $0x1082;
	[sflag:s4] =	ssyncset.s32 $0xFFFFF086  }
0x25: {  	[simem:s6], [sflag:s4] =	dma.local [hbm:s3], $0xF7A  }
0x26: {  	[smem:$0x3F9F] =	sst s1;
	(tag) =	ssettag s2;
	_ =	strace s9  }
0x27: {  	s1 =	sld [smem:$0x3FAF]  }
0x28: {  	s2 =	sld [smem:$0x3FB0]  }
0x29: {  	s4 =	sld [smem:$0x3FB2]  }
0x2a: {  	p0 =	seq.s32 s5, $0x0;
	s5 =	sld [smem:$0x3FB3]  }
0x2b: {  	s6 =	sld [smem:$0x3FB4]  }
0x2c: {  	s7 =	sld [smem:$0x3FB5]  }
0x2d: {  	s3 =	simm.s32 $0x108;
	s8 =	sld [smem:$0x3FB6]  }
0x2e: {  	s3 =	simm.s32 @!p0 $0x1082;
	s9 =	sld [smem:$0x3FB7]  }
0x2f: {  	lr =	sadd.s32 s0, s3;
	s0 =	sld [smem:$0x3FAE]  }
0x30: {  	s3 =	sld [smem:$0x3FB1]  }
0x31: {  	[smem:$0x3FBA] =	sst s10  }
0x32: {  	s10 =	sld [smem:$0x3FB8];
	_ =	sdelay $0x3  }
0x33: {  	p0 =	seq.s32 s10, $0x1;
	s10 =	sld [smem:$0x3FBA];
	_ =	sdelay $0x3  }
0x34: {  	[smem:$0x3FBA] =	sst s10  }
0x35: {  	s10 =	sld [smem:$0x3FB9];
	_ =	sdelay $0x3  }
0x36: {  	p1 =	seq.s32 s10, $0x1;
	s10 =	sld [smem:$0x3FBA];
	_ =	sdelay $0x3  }
0x37: {  	[smem:$0x3FBA] =	sst s10  }
0x38: {  	s10 =	sld [smem:$0x3FBB]  }
0x39: {  	_ = 	snop;
	(pc) =	sbr.ind lr, $3  }
0x3a: {  	_ = 	snop  }
0x3b: {  	_ = 	snop  }
0x3c: {  	p2 =	seq.s32 s10, $0x1;
	s10 =	sld [smem:$0x3FBA]  }
0x3d: {  	_ =	shalt  }
0x3e: {  	_ =	shalt  }
0x3f: {  	_ =	shalt  }
0x40: {  	_ =	shalt  }
0x41: {  	_ =	shalt  }
0x42: {  	_ =	shalt  }
0x43: {  	_ =	shalt  }
0x44: {  	_ =	shalt  }
0x45: {  	_ =	shalt  }
0x46: {  	_ =	shalt  }
0x47: {  	_ =	shalt  }
0x48: {  	_ =	shalt  }
0x49: {  	_ =	shalt  }
0x4a: {  	_ =	shalt  }
0x4b: {  	_ =	shalt  }
0x4c: {  	_ =	shalt  }
0x4d: {  	_ =	shalt  }
0x4e: {  	_ =	shalt  }
0x4f: {  	_ =	shalt  }
0x50: {  	_ =	shalt  }
0x51: {  	_ =	shalt  }
0x52: {  	_ =	shalt  }
0x53: {  	_ =	shalt  }
0x54: {  	_ =	shalt  }
0x55: {  	_ =	shalt  }
0x56: {  	_ =	shalt  }
0x57: {  	_ =	shalt  }
0x58: {  	_ =	shalt  }
0x59: {  	_ =	shalt  }
0x5a: {  	_ =	shalt  }
0x5b: {  	_ =	shalt  }
0x5c: {  	_ =	shalt  }
0x5d: {  	_ =	shalt  }
0x5e: {  	_ =	shalt  }
0x5f: {  	_ =	shalt  }
0x60: {  	_ =	shalt  }
0x61: {  	_ =	shalt  }
0x62: {  	_ =	shalt  }
0x63: {  	_ =	shalt  }
0x64: {  	_ =	shalt  }
0x65: {  	_ =	shalt  }
0x66: {  	_ =	shalt  }
0x67: {  	_ =	shalt  }
0x68: {  	_ =	shalt  }
0x69: {  	_ =	shalt  }
0x6a: {  	_ =	shalt  }
0x6b: {  	_ =	shalt  }
0x6c: {  	_ =	shalt  }
0x6d: {  	_ =	shalt  }
0x6e: {  	_ =	shalt  }
0x6f: {  	_ =	shalt  }
0x70: {  	_ =	shalt  }
0x71: {  	_ =	shalt  }
0x72: {  	_ =	shalt  }
0x73: {  	_ =	shalt  }
0x74: {  	_ =	shalt  }
0x75: {  	_ =	shalt  }
0x76: {  	_ =	shalt  }
0x77: {  	_ =	shalt  }
0x78: {  	_ =	shalt  }
0x79: {  	_ =	shalt  }
0x7a: {  	_ =	shalt  }
0x7b: {  	_ =	shalt  }
0x7c: {  	_ =	shalt  }
0x7d: {  	_ =	shalt  }
0x7e: {  	_ =	shalt  }
0x7f: {  	_ =	shalt  }
0x80: {  	_ =	shalt  }
0x81: {  	_ =	shalt  }
0x82: {  	_ =	shalt  }
0x83: {  	_ =	shalt  }
0x84: {  	_ =	shalt  }
0x85: {  	_ =	shalt  }
0x86: {  	_ =	shalt  }
0x87: {  	_ =	shalt  }
.Lfunc_end0:
.L_simem_size_0:
called_computation.1_lowered:
.L_overlay_start_0:
0x88: {  	s2 =	sld [smem:$0x3FD9]  }
0x89: {  	s3 =	sld [smem:$0x3FFE];
	_ =	sdelay $0x1  }
0x8a: {  	s1 =	srdreg.scid  }
0x8b: {  	s0 =	sand.u32 $0x1, s1  }
0x8c: {  	s17 =	sshll.u32 s0, $0xA;
	s2 =	sadd.s32 s3, s2  }
0x8d: {  	s2 =	sadd.s32 s2, s17  }
0x8e: {  	[smem:$0x3FC6] =	sst s2  }
0x8f: {  	_ = 	snop  }
0x90: {  	s2 =	sld [smem:$0x3FC8];
	(tm) =	ssettm $0x1  }
0x91: {  	s18 =	sld [smem:$0x3FFB];
	_ =	sdelay $0x3  }
0x92: {  	_ =	strace s18  }
0x93: {  	s3 =	sld [smem:$0x3FFC];
	_ =	sdelay $0x3  }
0x94: {  	_ =	strace s3  }
0x95: {  	s3 =	sld [smem:$0x3FFD];
	_ =	sdelay $0x3  }
0x96: {  	_ =	strace s3  }
0x97: {  	_ =	strace $0x8FFFFFFF  }
0x98: {  	s19 =	sld [smem:$0x3FDB];
	_ =	sdelay $0x1  }
0x99: {  	s4 =	simm.s32 $_scs_section_size  }
0x9a: {  	s5 =	simm.s32 $_size__tile_overlayer_lowered;
	s6 =	simm.s32 $_tile_overlayer_lowered  }
0x9b: {  	s22 =	simm.s32 $0x1BFF;
	s21 =	sshll.u32 s6, $0x1;
	s3 =	sadd.s32 s4, s19  }
0x9c: {  	s7 =	simm.s32 $0x0;
	s20 =	sshll.u32 s5, $0x1;
	s5 =	sadd.s32 s21, s3  }
0x9d: {  	[timem:s7], [sflag:s22] =	dma.local [hbm:s5], s20  }
0x9e: {  	_ =	swait.ge [sflag:s22], s20  }
0x9f: {  	s4 =	ssub.s32 $0x0, s20;
	[sflag:s22] =	ssyncset.done $0x0  }
0xa0: {  	[sflag:s22] =	ssyncadd.s32 s4;
	_ =	sdelay $0x1  }
0xa1: {  	s23 =	simm.s32 $0x1B8B  }
0xa2: {  	_ =	swait.ge [sflag:s23], $0x1  }
0xa3: {  	[sflag:s23] =	ssyncset.done $0x0  }
0xa4: {  	s25 =	simm.s32 $0x1B8E;
	s24 =	sld [smem:$0x3FFE];
	[sflag:s23] =	ssyncadd.s32 $0xFFFFFFFF  }
0xa5: {  	s26 =	simm.s32 $execute0_lowered;
	[smem:$0x3FD2] =	sst s25  }
0xa6: {  	s5 =	sshll.u32 s26, $0x1;
	_ =	strace $0x80000046;
	[dreg:$0x1] =	wrdreg $0xFFFFFFFF  }
0xa7: {  	s28 =	simm.s32 $_size_execute0_lowered;
	s3 =	sadd.s32 s3, s5;
	[dreg:$0x0] =	wrdreg $0x0  }
0xa8: {  	s5 =	sshll.u32 s28, $0x1;
	[dreg:$0x2] =	wrdreg s3  }
0xa9: {  	[dreg:$0x3] =	wrdreg s5  }
0xaa: {  	[dreg:$0x4] =	wrdreg $0xC0  }
0xab: {  	_ =	task [dreg:s7], $0x5FFFF  }
0xac: {  	[dreg:$0x1] =	wrdreg $0xFFFFFFFF  }
0xad: {  	[dreg:$0x0] =	wrdreg $0x60  }
0xae: {  	[dreg:$0x2] =	wrdreg s2  }
0xaf: {  	[dreg:$0x3] =	wrdreg s24  }
0xb0: {  	[dreg:$0x4] =	wrdreg $0x9  }
0xb1: {  	_ =	task.clear_ibuf [dreg:s7], $0x5FFFF;
	_ =	strace $0x90000046  }
0xb2: {  	s29 =	simm.s32 $0x9;
	_ =	strace $0x80000048  }
0xb3: {  	_ =	swait.ge [sflag:s29], $0x1  }
0xb4: {  	[sflag:s29] =	ssyncadd.s32 $0xFFFFFFFF  }
0xb5: {  	_ =	strace $0x90000048  }
0xb6: {  	_ =	sfence  }
0xb7: {  	s30 =	sld [smem:$0x0];
	_ =	sdelay $0x2  }
0xb8: {  	s31 =	sshll.u32 s1, $0xD;
	s1 =	sshrl.u32 s1, $0x2  }
0xb9: {  	s3 =	sand.u32 $0x4000, s31;
	s1 =	sadd.s32 s1, s30  }
0xba: {  	s0 =	sor.u32 s3, s0;
	s1 =	sshll.u32 s1, $0x11  }
0xbb: {  	s0 =	sor.u32 s1, s0  }
0xbc: {  	s0 =	sadd.s32 $0x8F2B, s0  }
0xbd: {  	[sflag:s0] =	ssyncadd.remote.s32 $0x1  }
0xbe: {  	_ =	sfence.sel $0xFFFF  }
0xbf: {  	[dreg:$0x0] =	wrdreg $0xFFFFFFFF;
	(pc) =	sbr.abs _section_cstart, $3  }
0xc0: {  	[dreg:$0x1] =	wrdreg $0xFFFFFFFF  }
0xc1: {  	_ =	task.clear_ibuf [dreg:s7], $0x2FFFF;
	_ =	strace $0x9FFFFFFF  }
0xc2: {  	(tm) =	ssettm $0x7FFFFFFF  }
0xc3: {  	_ =	shalt  }
tec
execute0_lowered:
.L_overlay_start_1:
0x0: {  	(tag) =	ssettag $0x1  }
0x1: {  	v0 =	vimm.s32 $0x2780  }
0x2: {  	vm14 =	vcmask $0x300;
	vm13 =	vcmask $0x704;
	vm12 =	vcmask $0xB08  }
0x3: {  	vm11 =	vcmask $0xF0C;
	vm10 =	vcmask $0x1310;
	vm9 =	vcmask $0x1714  }
0x4: {  	vm8 =	vcmask $0x1B18;
	vm7 =	vcmask $0x1F1C;
	vm6 =	vcmask $0x2320  }
0x5: {  	vm5 =	vcmask $0x2724;
	vm4 =	vcmask $0x2B28;
	vm3 =	vcmask $0x2F2C  }
0x6: {  	vm2 =	vcmask $0x3330;
	vm1 =	vcmask $0x3734;
	vm0 =	vcmask $0x3B38  }
0x7: {  	v1 =	vimm.s32 $0x6F80;
	v2 =	vimm.s32 $0x1780;
	v3 =	vimm.s32 $0x3F80  }
0x8: {  	v0 =	vsel vm14, $0x0, v0;
	v1 =	vsel vm14, $0x4800, v1;
	v2 =	vsel vm14, $0x0, v2  }
0x9: {  	v3 =	vsel vm14, $0x2800, v3;
	v0 =	vsel vm13, $0x80, v0;
	v1 =	vsel vm13, $0x4880, v1  }
0xa: {  	v2 =	vsel vm13, $0x80, v2;
	v3 =	vsel vm13, $0x2880, v3;
	v0 =	vsel vm12, $0x100, v0  }
0xb: {  	v1 =	vsel vm12, $0x4900, v1;
	v2 =	vsel vm12, $0x100, v2;
	v3 =	vsel vm12, $0x2900, v3  }
0xc: {  	s1 =	rddreg [dreg:$0x0];
	v0 =	vsel vm11, $0x180, v0;
	v1 =	vsel vm11, $0x4980, v1;
	v2 =	vsel vm11, $0x180, v2  }
0xd: {  	s0 =	rddreg [dreg:$0x1];
	s3 =	simm.s32 $0x0;
	s2 =	srdreg.scid;
	v3 =	vsel vm11, $0x2980, v3;
	v0 =	vsel vm10, $0x200, v0;
	v1 =	vsel vm10, $0x4A00, v1  }
0xe: {  	s4 =	stileid.u32;
	s16 =	simm.s32 $0x2400;
	s17 =	simm.s32 $0x4800;
	v2 =	vsel vm10, $0x200, v2;
	v3 =	vsel vm10, $0x2A00, v3;
	v0 =	vsel vm9, $0x280, v0  }
0xf: {  	s18 =	simm.s32 $0x6C00;
	s19 =	simm.s32 $0x1;
	s20 =	simm.s32 $0x9000;
	v1 =	vsel vm9, $0x4A80, v1;
	v2 =	vsel vm9, $0x280, v2;
	v3 =	vsel vm9, $0x2A80, v3  }
0x10: {  	s24 =	simm.s32 $0x17000;
	s29 =	simm.s32 $0x12000;
	[smem:$0x7FF] =	sst s3;
	v0 =	vsel vm8, $0x300, v0;
	v1 =	vsel vm8, $0x4B00, v1;
	v2 =	vsel vm8, $0x300, v2  }
0x11: {  	s2 =	sand.u32 $0x1, s2;
	s5 =	sadd.s32 $0xE00, s0;
	s0 =	sadd.s32 $0x3D0E00, s0;
	v3 =	vsel vm8, $0x2B00, v3;
	v0 =	vsel vm7, $0x380, v0;
	v1 =	vsel vm7, $0x4B80, v1  }
0x12: {  	s4 =	sshll.u32 s4, $0x1;
	s9 =	sadd.s32 $0xF4000, s1;
	_ =	strace $0x80000047;
	v2 =	vsel vm7, $0x380, v2;
	v3 =	vsel vm7, $0x2B80, v3;
	v0 =	vsel vm6, $0x2400, v0  }
0x13: {  	s4 =	sor.u32 s2, s4;
	s2 =	ssub.s32 $0x2, s2;
	[dreg:$0x4] =	wrdreg s9;
	v1 =	vsel vm6, $0x6C00, v1;
	v2 =	vsel vm6, $0x1400, v2;
	v3 =	vsel vm6, $0x3C00, v3  }
0x14: {  	[dreg:$0x5] =	wrdreg s0;
	s6 =	ssub.s32 $0x3EF, s4;
	s7 =	sshrl.u32 s2, $0x1;
	v0 =	vsel vm5, $0x2480, v0;
	v1 =	vsel vm5, $0x6C80, v1;
	v2 =	vsel vm5, $0x1480, v2  }
0x15: {  	s8 =	sshll.u32 s4, $0xA;
	p0 =	sne.s32 s4, $0x0;
	s6 =	sshrl.u32 s6, $0x5;
	v3 =	vsel vm5, $0x3C80, v3;
	v0 =	vsel vm4, $0x2500, v0;
	v1 =	vsel vm4, $0x6D00, v1  }
0x16: {  	s2 =	ssub.s32 s2, s7;
	s8 =	sadd.s32 s1, s8;
	s7 =	sadd.s32 $0xFFFFFFFF, s6;
	v2 =	vsel vm4, $0x1500, v2;
	v3 =	vsel vm4, $0x3D00, v3;
	v0 =	vsel vm3, $0x2580, v0  }
.Ltmp0:
0x17: {  	s26 =	sadd.s32 $0xF4280, s8;
	[dreg:$0x3] =	wrdreg s8;
	v1 =	vsel vm3, $0x6D80, v1;
	v2 =	vsel vm3, $0x1580, v2;
	v3 =	vsel vm3, $0x3D80, v3;
	(pc) =	sbr.rel .LBB2_1-.Ltmp0, $4  }
0x18: {  	s25 =	sadd.s32 $0x1, s6;
	s28 =	sadd.s32 $0x1E8500, s8;
	[dreg:$0x6] =	wrdreg s26;
	v0 =	vsel vm2, $0x2600, v0;
	v1 =	vsel vm2, $0x6E00, v1;
	v2 =	vsel vm2, $0x1600, v2  }
0x19: {  	s30 =	smax.u32 s2, $0x1;
	s31 =	sadd.s32 $0x2DC780, s8;
	[dreg:$0x7] =	wrdreg s28;
	v3 =	vsel vm2, $0x3E00, v3;
	v0 =	vsel vm1, $0x2680, v0;
	v1 =	vsel vm1, $0x6E80, v1  }
0x1a: {  	s15 =	sadd.s32 $0xFFFFFFFE, s6;
	s2 =	simm.s32 $0x0;
	[dreg:$0x8] =	wrdreg s30;
	v2 =	vsel vm1, $0x1680, v2;
	v3 =	vsel vm1, $0x3E80, v3;
	v0 =	vsel vm0, $0x2700, v0  }
0x1b: {  	s10 =	sshrl.u32 s25, $0x1;
	[dreg:$0x9] =	wrdreg s31;
	s25 =	simm.s32 $0x2;
	v1 =	vsel vm0, $0x6F00, v1;
	v2 =	vsel vm0, $0x1700, v2;
	v3 =	vsel vm0, $0x3F00, v3  }
.LBB2_9:
.Ltmp1:
0x1c: {  	(pc) =	sbr.rel @!p0 .LBB2_10-.Ltmp1, $2  }
0x1d: {  	_ =	sdelay $0x2  }
0x1e: {  	s2 =	rddreg [dreg:$0xa]  }
.LBB2_13:
0x1f: {  	s2 =	sadd.s32 $0x1, s2;
	s0 =	rddreg [dreg:$0x8]  }
0x20: {  	p1 =	sne.s32 s2, s0  }
.Ltmp2:
0x21: {  	_ = 	snop;
	(pc) =	sbr.rel @!p1 .LBB2_14-.Ltmp2, $1  }
0x22: {  	_ =	sdelay $0x3  }
.LBB2_1:
0x23: {  	[dreg:$0xa] =	wrdreg s2  }
0x24: {  	s0 =	rddreg [dreg:$0x3]  }
0x25: {  	[tilespmem:s3], [sflag:$0x1] =	stream.linear.gather [hbm4b:s0+s3], $0x2000, $0x38;
	[tilespmem:$0x1F000] =	vst v63  }
0x26: {  	s26 =	rddreg [dreg:$0x6]  }
0x27: {  	[tilespmem:s16], [sflag:$0x1] =	stream.linear.gather [hbm4b:s26+s3], $0x2000, $0x38;
	[tilespmem:$0x1F000] =	vst v63  }
0x28: {  	s28 =	rddreg [dreg:$0x7]  }
0x29: {  	[tilespmem:s17], [sflag:$0x1] =	stream.linear.gather [hbm4b:s28+s3], $0x2000, $0x38;
	[tilespmem:$0x1F000] =	vst v63  }
.Ltmp3:
0x2a: {  	s30 =	rddreg [dreg:$0x9];
	(pc) =	sbr.rel .LBB2_2-.Ltmp3, $4  }
0x2b: {  	[tilespmem:s18], [sflag:$0x1] =	stream.linear.gather [hbm4b:s30+s3], $0x2000, $0x38;
	[tilespmem:$0x1F000] =	vst v63  }
0x2c: {  	_ =	swait.ge [sflag:s19], $0x8000  }
0x2d: {  	[sflag:s19] =	ssyncset.done $0x0  }
0x2e: {  	s31 =	simm.s32 $0x0;
	[sflag:s19] =	ssyncadd.s32 $0xFFFF8000  }
.LBB2_8:
0x2f: {  	s31 =	sadd.s32 $0x1, s31  }
0x30: {  	p1 =	sne.s32 s31, s10  }
.Ltmp4:
0x31: {  	_ = 	snop;
	(pc) =	sbr.rel @!p1 .LBB2_9-.Ltmp4, $4  }
0x32: {  	_ = 	snop  }
0x33: {  	_ =	swait.ge [sflag:s19], $0x8000  }
0x34: {  	[sflag:s19] =	ssyncset.done $0x0  }
0x35: {  	[sflag:s19] =	ssyncadd.s32 $0xFFFF8000  }
.LBB2_2:
0x36: {  	s8 =	simm.s32 $0x0  }
0x37: {  	s0 =	simm.s32 $0x1;
	s2 =	simm.s32 $0x2;
	s6 =	simm.s32 $0x3;
	v6 =	vmov s8  }
0x38: {  	s26 =	simm.s32 $0x5;
	s30 =	simm.s32 $0xC;
	s9 =	simm.s32 $0x8;
	v5 =	vmov s0;
	v4 =	vmov s2;
	v7 =	vmov s6  }
0x39: {  	s11 =	simm.s32 $0xD;
	s12 =	simm.s32 $0xE;
	s14 =	simm.s32 $0xA;
	v10 =	vmov s26;
	v11 =	vmov s30;
	v15 =	vmov s9  }
0x3a: {  	s6 =	simm.s32 $0x9;
	v16 =	vmov s11;
	v17 =	vmov s12;
	v21 =	vmov s14  }
0x3b: {  	v8 =	vand.u32 $0x73, v7;
	v12 =	vand.u32 $0x75, v10;
	v13 =	vmov s6  }
0x3c: {  	v14 =	vshll.u32 v11, $0x3;
	v18 =	vshll.u32 v5, $0x3;
	v19 =	vshll.u32 v4, $0x3  }
0x3d: {  	s13 =	sshll.u32 s31, $0x6;
	v9 =	vand.u32 $0x78, v15;
	v22 =	vand.u32 $0x72, v4;
	v4 =	vand.u32 $0x7C, v11  }
0x3e: {  	s26 =	sor.u32 s4, s13;
	s2 =	sshll.u32 s31, $0x1;
	s9 =	simm.s32 $0xB;
	v11 =	vshll.u32 v21, $0x3;
	v23 =	vshll.u32 v16, $0x3;
	v24 =	vshll.u32 v17, $0x3  }
0x3f: {  	p1 =	slt.u32 s2, s7;
	s0 =	sor.u32 $0x20, s26;
	s6 =	smov.u32 s4;
	v7 =	vshll.u32 v7, $0x3;
	v21 =	vand.u32 $0x7A, v21;
	v16 =	vand.u32 $0x7D, v16  }
0x40: {  	v17 =	vand.u32 $0x7E, v17;
	v25 =	vmov s9;
	v10 =	vshll.u32 v10, $0x3;
	s6 =	smov.u32 @p1 s0  }
0x41: {  	v15 =	vshll.u32 v15, $0x3;
	v5 =	vand.u32 $0x71, v5;
	v27 =	vshll.u32 v6, $0x3;
	s6 =	sshll.u32 s6, $0xA  }
0x42: {  	v6 =	vand.u32 $0x70, v6;
	v19 =	vand.u32 $0x1C00, v19;
	v20 =	vshll.u32 v13, $0x3;
	s6 =	sand.u32 $0x1FFFFC00, s6  }
0x43: {  	v13 =	vand.u32 $0x79, v13;
	v23 =	vand.u32 $0x1C00, v23;
	v14 =	vand.u32 $0x1C00, v14;
	s6 =	sadd.s32 s1, s6  }
0x44: {  	v10 =	vand.u32 $0x1C00, v10;
	v4 =	vor.u32 v4, v14;
	v14 =	vor.u32 v16, v23;
	[tilespmem:s20], [sflag:$0x1] =	stream.linear.gather [hbm4b:s6+s8], $0x2000, $0x38;
	[tilespmem:$0x1F000] =	vst v63  }
0x45: {  	s11 =	simm.s32 $0xB400;
	v16 =	vand.u32 $0x1C00, v18;
	v23 =	vshll.u32 v25, $0x3;
	v10 =	vor.u32 v12, v10;
	s21 =	sadd.s32 $0xF4280, s6  }
0x46: {  	v12 =	vand.u32 $0x7B, v25;
	v18 =	vadd.s32 v0, v4;
	v23 =	vand.u32 $0x1C00, v23;
	[tilespmem:s11], [sflag:$0x1] =	stream.linear.gather [hbm4b:s21+s8], $0x2000, $0x38;
	[tilespmem:$0x1F000] =	vst v63  }
0x47: {  	s23 =	simm.s32 $0xD800;
	v7 =	vand.u32 $0x1C00, v7;
	v25 =	vadd.s32 v0, v10;
	v12 =	vor.u32 v12, v23;
	s22 =	sadd.s32 $0x1E8500, s6  }
0x48: {  	v24 =	vand.u32 $0x1C00, v24;
	v23 =	vadd.s32 v0, v12;
	v12 =	vadd.s32 v1, v12;
	[tilespmem:s23], [sflag:$0x1] =	stream.linear.gather [hbm4b:s22+s8], $0x2000, $0x38;
	[tilespmem:$0x1F000] =	vst v63  }
0x49: {  	s30 =	simm.s32 $0xFC00;
	v20 =	vand.u32 $0x1C00, v20;
	v8 =	vor.u32 v8, v7;
	v10 =	vadd.s32 v1, v10;
	s6 =	sadd.s32 $0x2DC780, s6  }
0x4a: {  	v16 =	vor.u32 v5, v16;
	v5 =	vor.u32 v17, v24;
	v13 =	vor.u32 v13, v20;
	[tilespmem:s30], [sflag:$0x1] =	stream.linear.gather [hbm4b:s6+s8], $0x2000, $0x38;
	[tilespmem:$0x1F000] =	vst v63  }
0x4b: {  	s9 =	simm.s32 $0x7;
	v7 =	vadd.s32 v0, v5;
	v17 =	vadd.s32 v1, v5;
	v28 =	vadd.s32 v0, v13;
	v5 =	vld.idx.msk [tilespmem:v18+s3+$0x0], $0xffff  }
0x4c: {  	v11 =	vand.u32 $0x1C00, v11;
	v26 =	vmov s9;
	v27 =	vand.u32 $0x1C00, v27;
	v25 =	vld.idx.msk [tilespmem:v25+s3+$0x0], $0xffff  }
0x4d: {  	v15 =	vand.u32 $0x1C00, v15;
	v29 =	vshll.u32 v26, $0x3;
	v27 =	vor.u32 v6, v27;
	v12 =	vld.idx.msk [tilespmem:v12+s3+$0x0], $0xffff  }
0x4e: {  	v11 =	vor.u32 v21, v11;
	v9 =	vor.u32 v9, v15;
	v6 =	vadd.s32 v1, v14;
	s8 =	simm.s32 $0xF;
	v23 =	vld.idx.msk [tilespmem:v23+s3+$0x0], $0xffff  }
0x4f: {  	v13 =	vadd.s32 v1, v13;
	v18 =	vadd.s32 v0, v16;
	v24 =	vmov s8;
	v30 =	vld.idx.msk [tilespmem:v10+s3+$0x0], $0xffff  }
0x50: {  	v16 =	vadd.s32 v1, v16;
	v33 =	vld.idx.msk [tilespmem:v28+s3+$0x0], $0xffff;
	v20 =	vand.u32 $0x7F, v24;
	v24 =	vshll.u32 v24, $0x3  }
0x51: {  	s11 =	simm.s32 $0x4;
	v10 =	vand.u32 $0x77, v26;
	v26 =	vand.u32 $0x1C00, v29;
	v31 =	vld.idx.msk [tilespmem:v17+s3+$0x0], $0xffff;
	v24 =	vand.u32 $0x1C00, v24  }
0x52: {  	s28 =	simm.s32 $0x17100;
	v10 =	vor.u32 v10, v26;
	v26 =	vld.idx.msk [tilespmem:v7+s3+$0x0], $0xffff;
	v7 =	vor.u32 v20, v24;
	v20 =	vmov s11  }
0x53: {  	v24 =	vadd.s32 v0, v10;
	v29 =	vadd.s32 v0, v7;
	v32 =	vadd.s32 v1, v7;
	[tilespmem:s28+$0xFFFFFFA0] =	vst v25  }
0x54: {  	s12 =	simm.s32 $0x160;
	v7 =	vor.u32 v22, v19;
	v17 =	vshll.u32 v20, $0x3;
	v19 =	vadd.s32 v1, v10;
	v18 =	vld.idx.msk [tilespmem:v18+s3+$0x0], $0xffff;
	[tilespmem:s28+$0x60] =	vst v23  }
0x55: {  	s13 =	simm.s32 $0xA0;
	s6 =	sor.u32 $0x70, s12;
	v28 =	vadd.s32 v1, v8;
	v10 =	vadd.s32 v0, v7;
	v22 =	vand.u32 $0x1C00, v17;
	v17 =	vld.idx.msk [tilespmem:v13+s3+$0x0], $0xffff;
	[tilespmem:s28+$0x20] =	vst v33  }
0x56: {  	s14 =	simm.s32 $0x6;
	s8 =	sor.u32 $0x30, s13;
	v7 =	vadd.s32 v1, v7;
	v13 =	vld.idx.msk [tilespmem:v16+s3+$0x0], $0xffff;
	v16 =	vadd.s32 v0, v8;
	v8 =	vand.u32 $0x74, v20;
	[tilespmem:s6+$0x17000] =	vst v12  }
0x57: {  	s21 =	simm.s32 $0x1C0;
	v6 =	vld.idx.msk [tilespmem:v6+s3+$0x0], $0xffff;
	v20 =	vmov s14;
	v25 =	vadd.s32 v1, v27;
	[tilespmem:s8+$0x17000] =	vst v30;
	v12 =	vor.u32 v8, v22  }
0x58: {  	v8 =	vadd.s32 v0, v14;
	[tilespmem:s28+$0xC0] =	vst v26;
	v23 =	vshll.u32 v20, $0x3;
	s6 =	sor.u32 $0x50, s21;
	v26 =	vadd.s32 v0, v12;
	v22 =	vld.idx.msk [tilespmem:v24+s3+$0x0], $0xffff  }
0x59: {  	s22 =	simm.s32 $0x20;
	v14 =	vadd.s32 v1, v12;
	[tilespmem:s6+$0x17000] =	vst v31;
	v24 =	vadd.s32 v0, v27;
	v27 =	vld.idx.msk [tilespmem:v19+s3+$0x0], $0xffff;
	v19 =	vand.u32 $0x1C00, v23  }
0x5a: {  	s30 =	simm.s32 $0x120;
	s6 =	sor.u32 $0x30, s22;
	v12 =	vld.idx.msk [tilespmem:v29+s3+$0x0], $0xffff;
	v23 =	vadd.s32 v0, v11;
	[tilespmem:s28+$0xFFFFFF20] =	vst v18;
	v18 =	vand.u32 $0x76, v20;
	v20 =	vadd.s32 v0, v9  }
0x5b: {  	s9 =	simm.s32 $0x10;
	s23 =	simm.s32 $0xE0;
	s12 =	sor.u32 $0x30, s30;
	v19 =	vor.u32 v18, v19;
	[tilespmem:s6+$0x17000] =	vst v13;
	v13 =	vld.idx.msk [tilespmem:v28+s3+$0x0], $0xffff;
	v28 =	vadd.s32 v1, v9  }
0x5c: {  	s11 =	simm.s32 $0x3E0;
	s8 =	simm.s32 $0x1E0;
	v18 =	vld.idx.msk [tilespmem:v32+s3+$0x0], $0xffff;
	s6 =	sor.u32 $0x70, s23;
	v21 =	vadd.s32 v0, v19;
	v15 =	vadd.s32 v1, v19;
	v19 =	vadd.s32 v1, v11  }
.LBB2_3:
0x5d: {  	s13 =	sadd.s32 $0x1, s9  }
0x5e: {  	v11 =	vmov s9;
	s14 =	sadd.s32 $0x2, s9;
	s30 =	sadd.s32 $0x3, s9;
	v14 =	vld.idx.msk [tilespmem:v14+s3+$0x0], $0xffff;
	[tilespmem:s12+$0x17000] =	vst v17;
	v4 =	vadd.s32 v1, v4;
	s12 =	smov.u32 s9  }
0x5f: {  	v29 =	vmov s13;
	v17 =	vmov s14;
	v30 =	vmov s30;
	s13 =	sadd.s32 $0x5, s9;
	s14 =	sadd.s32 $0x7, s9;
	s30 =	sadd.s32 $0xC, s9;
	v25 =	vld.idx.msk [tilespmem:v25+s3+$0x0], $0xffff  }
0x60: {  	s21 =	sadd.s32 $0x8, s9;
	s22 =	sadd.s32 $0x9, s9;
	s23 =	sadd.s32 $0xB, s9;
	v31 =	vand.u32 $0x73, v30;
	v32 =	vmov s13;
	v33 =	vmov s30;
	v26 =	vld.idx.msk [tilespmem:v26+s3+$0x0], $0xffff;
	[tilespmem:s28+$0xFFFFFFE0] =	vst v22  }
0x61: {  	v34 =	vmov s22;
	s22 =	sadd.s32 $0xD, s9;
	s13 =	sadd.s32 $0x4, s9;
	s30 =	sadd.s32 $0xE, s9;
	v22 =	vand.u32 $0x75, v32;
	v35 =	vshll.u32 v33, $0x3;
	v24 =	vld.idx.msk [tilespmem:v24+s3+$0x0], $0xffff;
	[tilespmem:s6+$0x17000] =	vst v27  }
0x62: {  	p1 =	slt.u32 s9, $0x3F0;
	v36 =	vmov s22;
	s9 =	sadd.s32 $0x10, s9;
	v27 =	vmov s21;
	s6 =	sadd.s32 $0xA, s12;
	v37 =	vmov s30;
	v38 =	vld.idx.msk [tilespmem:v16+s3+$0x0], $0xffff  }
0x63: {  	v39 =	vshll.u32 v29, $0x3;
	v16 =	vshll.u32 v17, $0x3;
	v9 =	vand.u32 $0x78, v27;
	v40 =	vld.idx.msk [tilespmem:v4+s3+$0x0], $0xffff  }
0x64: {  	v41 =	vshll.u32 v34, $0x3;
	v16 =	vand.u32 $0x1C00, v16;
	v4 =	vmov s6;
	v28 =	vld.idx.msk [tilespmem:v28+s3+$0x0], $0xffff;
	[tilespmem:s28+$0x80] =	vst v5  }
0x65: {  	v34 =	vand.u32 $0x79, v34;
	v17 =	vand.u32 $0x72, v17;
	v5 =	vand.u32 $0x7C, v33;
	v10 =	vld.idx.msk [tilespmem:v10+s3+$0x0], $0xffff;
	[tilespmem:s28+$0xE0] =	vst v12  }
0x66: {  	v42 =	vshll.u32 v36, $0x3;
	v43 =	vshll.u32 v37, $0x3;
	s6 =	sor.u32 $0x70, s8;
	v33 =	vshll.u32 v4, $0x3;
	[tilespmem:s28+$0xFFFFFF80] =	vst v26;
	v23 =	vld.idx.msk [tilespmem:v23+s3+$0x0], $0xffff  }
0x67: {  	v12 =	vand.u32 $0x7A, v4;
	v26 =	vshll.u32 v30, $0x3;
	v30 =	vand.u32 $0x1C00, v42;
	v21 =	vld.idx.msk [tilespmem:v21+s3+$0x0], $0xffff;
	[tilespmem:s6+$0x17000] =	vst v18  }
0x68: {  	v4 =	vand.u32 $0x1C00, v35;
	v35 =	vand.u32 $0x7E, v37;
	v18 =	vand.u32 $0x7D, v36;
	[tilespmem:s28+$0xFFFFFF60] =	vst v38;
	v19 =	vld.idx.msk [tilespmem:v19+s3+$0x0], $0xffff  }
0x69: {  	v4 =	vor.u32 v5, v4;
	v36 =	vmov s23;
	v18 =	vor.u32 v18, v30;
	v20 =	vld.idx.msk [tilespmem:v20+s3+$0x0], $0xffff;
	[tilespmem:s28+$0x90] =	vst v40  }
0x6a: {  	v5 =	vshll.u32 v32, $0x3;
	v32 =	vadd.s32 v0, v4;
	v30 =	vand.u32 $0x1C00, v39;
	[tilespmem:s28+$0xFFFFFF00] =	vst v24;
	v7 =	vld.idx.msk [tilespmem:v7+s3+$0x0], $0xffff  }
0x6b: {  	v5 =	vand.u32 $0x1C00, v5;
	v24 =	vand.u32 $0x1C00, v26;
	v26 =	vshll.u32 v36, $0x3;
	[tilespmem:s28+$0xFFFFFF10] =	vst v25;
	v8 =	vld.idx.msk [tilespmem:v8+s3+$0x0], $0xffff  }
0x6c: {  	s6 =	sadd.s32 $0xFFFFFE80, s8;
	v5 =	vor.u32 v22, v5;
	v22 =	vand.u32 $0x7B, v36;
	v25 =	vand.u32 $0x1C00, v26;
	v15 =	vld.idx.msk [tilespmem:v15+s3+$0x0], $0xffff;
	[tilespmem:s28+$0x40] =	vst v23  }
0x6d: {  	s6 =	sor.u32 $0x70, s6;
	v26 =	vadd.s32 v1, v5;
	v23 =	vadd.s32 v0, v5;
	v5 =	vor.u32 v22, v25;
	[tilespmem:s28+$0x10] =	vst v28  }
0x6e: {  	v28 =	vshll.u32 v27, $0x3;
	v22 =	vadd.s32 v0, v5;
	v25 =	vadd.s32 v1, v5;
	[tilespmem:s6+$0x17000] =	vst v13  }
0x6f: {  	v27 =	vand.u32 $0x1C00, v41;
	v13 =	vand.u32 $0x71, v29;
	v29 =	vand.u32 $0x1C00, v43;
	s6 =	sadd.s32 $0xFFFFFF60, s8;
	v5 =	vld.idx.msk [tilespmem:v32+s3+$0x0], $0xffff;
	[tilespmem:s28+$0xFFFFFF40] =	vst v10  }
0x70: {  	s21 =	sadd.s32 $0xFFFFFEE0, s8;
	v10 =	vor.u32 v13, v30;
	v13 =	vand.u32 $0x1C00, v33;
	v29 =	vor.u32 v35, v29;
	s6 =	sor.u32 $0x50, s6;
	[tilespmem:s28+$0xFFFFFFC0] =	vst v21  }
0x71: {  	s22 =	sadd.s32 $0xF, s12;
	s21 =	sor.u32 $0x50, s21;
	v21 =	vor.u32 v31, v24;
	v24 =	vadd.s32 v0, v29;
	v29 =	vadd.s32 v1, v29;
	[tilespmem:s6+$0x17000] =	vst v19  }
0x72: {  	v30 =	vadd.s32 v1, v10;
	v19 =	vadd.s32 v0, v10;
	v10 =	vld.idx.msk [tilespmem:v23+s3+$0x0], $0xffff;
	v23 =	vmov s22;
	[tilespmem:s21+$0x17000] =	vst v15  }
0x73: {  	v27 =	vor.u32 v34, v27;
	v15 =	vmov s14;
	v25 =	vld.idx.msk [tilespmem:v25+s3+$0x0], $0xffff;
	v31 =	vand.u32 $0x7F, v23;
	[tilespmem:s28+$0xA0] =	vst v8  }
0x74: {  	v32 =	vadd.s32 v0, v27;
	v27 =	vadd.s32 v1, v27;
	s6 =	sadd.s32 $0xFFFFFE60, s8;
	s14 =	sadd.s32 $0xFFFFFFC0, s8;
	s8 =	smov.u32 s11;
	v8 =	vshll.u32 v11, $0x3;
	v22 =	vld.idx.msk [tilespmem:v22+s3+$0x0], $0xffff;
	[tilespmem:s28+$0x0] =	vst v20  }
0x75: {  	s6 =	sor.u32 $0x50, s6;
	v23 =	vshll.u32 v23, $0x3;
	s14 =	sor.u32 $0x30, s14;
	v8 =	vand.u32 $0x1C00, v8;
	v20 =	vshll.u32 v15, $0x3;
	[tilespmem:s28+$0xFFFFFF90] =	vst v14  }
0x76: {  	v15 =	vand.u32 $0x77, v15;
	v23 =	vand.u32 $0x1C00, v23;
	v20 =	vand.u32 $0x1C00, v20;
	v14 =	vld.idx.msk [tilespmem:v26+s3+$0x0], $0xffff;
	[tilespmem:s6+$0x17000] =	vst v7  }
0x77: {  	s28 =	sadd.s32 $0x200, s28;
	v7 =	vand.u32 $0x70, v11;
	v11 =	vor.u32 v15, v20;
	v20 =	vor.u32 v31, v23;
	v15 =	vld.idx.msk [tilespmem:v24+s3+$0x0], $0xffff;
	[tilespmem:s14+$0x17000] =	vst v6  }
0x78: {  	v23 =	vadd.s32 v0, v11;
	v31 =	vadd.s32 v0, v20;
	v6 =	vld.idx.msk [tilespmem:v19+s3+$0x0], $0xffff;
	v19 =	vmov s13;
	[tilespmem:s28+$0xFFFFFFA0] =	vst v10  }
0x79: {  	v33 =	vadd.s32 v1, v18;
	s6 =	sadd.s32 $0xFFFFFF80, s11;
	v24 =	vor.u32 v7, v8;
	v20 =	vadd.s32 v1, v20;
	v29 =	vld.idx.msk [tilespmem:v29+s3+$0x0], $0xffff  }
0x7a: {  	v7 =	vor.u32 v17, v16;
	v11 =	vadd.s32 v1, v11;
	s6 =	sor.u32 $0x70, s6;
	s13 =	sadd.s32 $0xFFFFFEC0, s11;
	v8 =	vshll.u32 v19, $0x3;
	v32 =	vld.idx.msk [tilespmem:v32+s3+$0x0], $0xffff;
	[tilespmem:s28+$0x60] =	vst v22  }
0x7b: {  	v10 =	vadd.s32 v0, v7;
	v7 =	vadd.s32 v1, v7;
	s13 =	sor.u32 $0x30, s13;
	v8 =	vand.u32 $0x1C00, v8;
	v17 =	vld.idx.msk [tilespmem:v27+s3+$0x0], $0xffff;
	[tilespmem:s6+$0x17000] =	vst v25  }
0x7c: {  	v34 =	vadd.s32 v1, v21;
	v16 =	vadd.s32 v0, v21;
	v19 =	vand.u32 $0x74, v19;
	s6 =	sadd.s32 $0x6, s12;
	v30 =	vld.idx.msk [tilespmem:v30+s3+$0x0], $0xffff;
	[tilespmem:s13+$0x17000] =	vst v14  }
0x7d: {  	v14 =	vor.u32 v19, v8;
	v19 =	vmov s6;
	v8 =	vadd.s32 v0, v18;
	s6 =	sadd.s32 $0xFFFFFFE0, s11;
	v22 =	vld.idx.msk [tilespmem:v23+s3+$0x0], $0xffff;
	[tilespmem:s28+$0xC0] =	vst v15  }
0x7e: {  	v25 =	vadd.s32 v1, v24;
	v26 =	vadd.s32 v0, v14;
	v15 =	vshll.u32 v19, $0x3;
	s6 =	sor.u32 $0x50, s6;
	[tilespmem:s28+$0xFFFFFF20] =	vst v6;
	v6 =	vld.idx.msk [tilespmem:v33+s3+$0x0], $0xffff  }
.Ltmp5:
0x7f: {  	v24 =	vadd.s32 v0, v24;
	v14 =	vadd.s32 v1, v14;
	v18 =	vand.u32 $0x76, v19;
	v27 =	vld.idx.msk [tilespmem:v11+s3+$0x0], $0xffff;
	[tilespmem:s6+$0x17000] =	vst v29;
	(pc) =	sbr.rel @p1 .LBB2_3-.Ltmp5, $4  }
0x80: {  	v13 =	vor.u32 v12, v13;
	s6 =	sadd.s32 $0xFFFFFE40, s11;
	v11 =	vand.u32 $0x1C00, v15;
	v15 =	vand.u32 $0x1C00, v28;
	v12 =	vld.idx.msk [tilespmem:v31+s3+$0x0], $0xffff  }
0x81: {  	v23 =	vadd.s32 v0, v13;
	s6 =	sor.u32 $0x30, s6;
	v11 =	vor.u32 v18, v11;
	v9 =	vor.u32 v9, v15;
	v18 =	vld.idx.msk [tilespmem:v20+s3+$0x0], $0xffff  }
0x82: {  	s12 =	sadd.s32 $0xFFFFFF40, s11;
	v19 =	vadd.s32 v1, v13;
	v21 =	vadd.s32 v0, v11;
	v15 =	vadd.s32 v1, v11;
	[tilespmem:s6+$0x17000] =	vst v30;
	s6 =	sadd.s32 $0xFFFFFF00, s11  }
0x83: {  	s12 =	sor.u32 $0x30, s12;
	v20 =	vadd.s32 v0, v9;
	v28 =	vadd.s32 v1, v9;
	s11 =	sadd.s32 $0x200, s11;
	v13 =	vld.idx.msk [tilespmem:v34+s3+$0x0], $0xffff;
	s6 =	sor.u32 $0x70, s6;
	[tilespmem:s28+$0x20] =	vst v32  }
0x84: {  	_ =	sdelay $0x3  }
0x85: {  	v9 =	vld.idx.msk [tilespmem:v14+s3+$0x0], $0xffff  }
0x86: {  	v4 =	vadd.s32 v1, v4;
	[tilespmem:s12+$0x17000] =	vst v17;
	v11 =	vld.idx.msk [tilespmem:v26+s3+$0x0], $0xffff  }
0x87: {  	[tilespmem:s28+$0xFFFFFFE0] =	vst v22;
	v58 =	vld.idx.msk [tilespmem:v16+s3+$0x0], $0xffff  }
0x88: {  	v59 =	vld.idx.msk [tilespmem:v25+s3+$0x0], $0xffff;
	[tilespmem:s6+$0x17000] =	vst v27  }
0x89: {  	s9 =	sor.u32 $0x70, s8;
	v10 =	vld.idx.msk [tilespmem:v10+s3+$0x0], $0xffff;
	[tilespmem:s28+$0xE0] =	vst v12  }
0x8a: {  	v62 =	vld.idx.msk [tilespmem:v21+s3+$0x0], $0xffff;
	[tilespmem:s9+$0x17000] =	vst v18  }
0x8b: {  	v4 =	vld.idx.msk [tilespmem:v4+s3+$0x0], $0xffff;
	[tilespmem:s28+$0x80] =	vst v5  }
0x8c: {  	v8 =	vld.idx.msk [tilespmem:v8+s3+$0x0], $0xffff;
	[tilespmem:s28+$0xFFFFFF80] =	vst v11  }
0x8d: {  	v7 =	vld.idx.msk [tilespmem:v7+s3+$0x0], $0xffff;
	[tilespmem:s28+$0xFFFFFF60] =	vst v58  }
0x8e: {  	v5 =	vld.idx.msk [tilespmem:v24+s3+$0x0], $0xffff;
	[tilespmem:s28+$0xFFFFFF10] =	vst v59  }
0x8f: {  	v63 =	vld.idx.msk [tilespmem:v15+s3+$0x0], $0xffff;
	[tilespmem:s28+$0xFFFFFF40] =	vst v10  }
0x90: {  	[tilespmem:s28+$0xFFFFFFC0] =	vst v62  }
0x91: {  	s11 =	sadd.s32 $0xFFFFFE80, s8;
	[tilespmem:s28+$0xA0] =	vst v8  }
0x92: {  	s6 =	sor.u32 $0x70, s11;
	s9 =	sadd.s32 $0xFFFFFEE0, s8;
	[tilespmem:s28+$0xFFFFFF90] =	vst v9  }
0x93: {  	v61 =	vld.idx.msk [tilespmem:v23+s3+$0x0], $0xffff;
	s9 =	sor.u32 $0x50, s9;
	[tilespmem:s6+$0x17000] =	vst v13  }
0x94: {  	v60 =	vld.idx.msk [tilespmem:v28+s3+$0x0], $0xffff;
	[tilespmem:s9+$0x17000] =	vst v63  }
0x95: {  	s14 =	sadd.s32 $0xFFFFFFC0, s8;
	[tilespmem:s28+$0x90] =	vst v4;
	v4 =	vld.idx.msk [tilespmem:v19+s3+$0x0], $0xffff  }
0x96: {  	s12 =	sadd.s32 $0xFFFFFF60, s8;
	s13 =	sadd.s32 $0xFFFFFE60, s8;
	s8 =	sor.u32 $0x30, s14;
	[tilespmem:s28+$0xFFFFFF00] =	vst v5;
	v5 =	vld.idx.msk [tilespmem:v20+s3+$0x0], $0xffff  }
0x97: {  	[tilespmem:s8+$0x17000] =	vst v6  }
0x98: {  	[tilespmem:s28+$0x40] =	vst v61  }
0x99: {  	s6 =	sor.u32 $0x50, s12;
	[tilespmem:s28+$0x10] =	vst v60  }
0x9a: {  	s21 =	sshll.u32 s26, $0xC;
	[tilespmem:s6+$0x17000] =	vst v4  }
0x9b: {  	s22 =	sand.u32 $0x1FFDF000, s21;
	[tilespmem:s28+$0x0] =	vst v5;
	s6 =	sor.u32 $0x50, s13  }
0x9c: {  	s23 =	sadd.s32 s5, s22;
	[tilespmem:s6+$0x17000] =	vst v7;
	s6 =	simm.s32 $0x0  }
0x9d: {  	[hbm4b:s23+s6] =	stream.linear.scatter [tilespmem:s24], [sflag:$0x2], $0x8000, $0x38;
	[tilespmem:$0x1F000] =	vst v63  }
0x9e: {  	p1 =	slt.u32 s2, s15;
	_ =	swait.ge [sflag:s25], $0x8000  }
0x9f: {  	s8 =	sadd.s32 $0x40, s26;
	s9 =	smov.u32 s4;
	[sflag:s25] =	ssyncset.done $0x0  }
0xa0: {  	s9 =	smov.u32 @p1 s8;
	[sflag:s25] =	ssyncadd.s32 $0xFFFF8000  }
0xa1: {  	s8 =	sshll.u32 s9, $0xA;
	_ =	swait.ge [sflag:s19], $0x8000  }
0xa2: {  	s8 =	sand.u32 $0x1FFFFC00, s8;
	[sflag:s19] =	ssyncset.done $0x0  }
0xa3: {  	s8 =	sadd.s32 s1, s8;
	[sflag:s19] =	ssyncadd.s32 $0xFFFF8000  }
0xa4: {  	[tilespmem:s6], [sflag:$0x1] =	stream.linear.gather [hbm4b:s8+s6], $0x2000, $0x38;
	[tilespmem:$0x1F000] =	vst v63  }
0xa5: {  	p1 =	sge.u32 s2, s7;
	s28 =	sadd.s32 $0xF4280, s8  }
0xa6: {  	[tilespmem:s16], [sflag:$0x1] =	stream.linear.gather [hbm4b:s28+s6], $0x2000, $0x38;
	[tilespmem:$0x1F000] =	vst v63  }
.Ltmp6:
0xa7: {  	_ = 	snop;
	(pc) =	sbr.rel @p1 .LBB2_8-.Ltmp6, $4  }
0xa8: {  	s30 =	sadd.s32 $0x1E8500, s8  }
0xa9: {  	[tilespmem:s17], [sflag:$0x1] =	stream.linear.gather [hbm4b:s30+s6], $0x2000, $0x38;
	[tilespmem:$0x1F000] =	vst v63  }
0xaa: {  	s8 =	sadd.s32 $0x2DC780, s8  }
0xab: {  	[tilespmem:s18], [sflag:$0x1] =	stream.linear.gather [hbm4b:s8+s6], $0x2000, $0x38;
	[tilespmem:$0x1F000] =	vst v63  }
0xac: {  	s2 =	simm.s32 $0x1;
	s14 =	simm.s32 $0x2  }
0xad: {  	v6 =	vmov s6;
	s8 =	simm.s32 $0x3;
	s21 =	simm.s32 $0x5;
	s22 =	simm.s32 $0xC;
	v5 =	vmov s2;
	v4 =	vmov s14  }
0xae: {  	s23 =	simm.s32 $0x9;
	s26 =	simm.s32 $0x8;
	s28 =	simm.s32 $0xD;
	v7 =	vmov s8;
	v9 =	vmov s21;
	v10 =	vmov s22  }
0xaf: {  	s30 =	simm.s32 $0xE;
	s9 =	simm.s32 $0xA;
	s11 =	simm.s32 $0xB;
	v12 =	vmov s23;
	v14 =	vmov s26;
	v15 =	vmov s28  }
0xb0: {  	v16 =	vmov s30;
	v21 =	vmov s9;
	v25 =	vmov s11  }
0xb1: {  	v26 =	vshll.u32 v6, $0x3;
	v6 =	vand.u32 $0x70, v6;
	v8 =	vand.u32 $0x73, v7  }
0xb2: {  	v11 =	vand.u32 $0x75, v9;
	v13 =	vshll.u32 v10, $0x3;
	v17 =	vshll.u32 v5, $0x3  }
0xb3: {  	v18 =	vshll.u32 v4, $0x3;
	v19 =	vand.u32 $0x78, v14;
	v20 =	vshll.u32 v12, $0x3  }
0xb4: {  	v22 =	vand.u32 $0x72, v4;
	v12 =	vand.u32 $0x79, v12;
	v4 =	vand.u32 $0x7C, v10  }
0xb5: {  	v10 =	vshll.u32 v21, $0x3;
	v23 =	vshll.u32 v15, $0x3;
	v24 =	vshll.u32 v16, $0x3  }
0xb6: {  	v7 =	vshll.u32 v7, $0x3;
	v15 =	vand.u32 $0x7D, v15;
	v16 =	vand.u32 $0x7E, v16  }
0xb7: {  	v9 =	vshll.u32 v9, $0x3;
	v5 =	vand.u32 $0x71, v5;
	v26 =	vand.u32 $0x1C00, v26  }
0xb8: {  	v23 =	vand.u32 $0x1C00, v23;
	v13 =	vand.u32 $0x1C00, v13;
	v7 =	vand.u32 $0x1C00, v7  }
0xb9: {  	v9 =	vand.u32 $0x1C00, v9;
	v20 =	vand.u32 $0x1C00, v20;
	v24 =	vand.u32 $0x1C00, v24  }
0xba: {  	v28 =	vand.u32 $0x1C00, v10;
	v4 =	vor.u32 v4, v13;
	v13 =	vor.u32 v15, v23  }
0xbb: {  	v15 =	vand.u32 $0x1C00, v17;
	v9 =	vor.u32 v11, v9;
	v17 =	vadd.s32 v0, v4  }
0xbc: {  	v23 =	vshll.u32 v25, $0x3;
	v11 =	vand.u32 $0x7B, v25;
	v25 =	vadd.s32 v0, v9  }
0xbd: {  	v33 =	vor.u32 v6, v26;
	v12 =	vor.u32 v12, v20;
	v9 =	vadd.s32 v1, v9  }
0xbe: {  	v8 =	vor.u32 v8, v7;
	v23 =	vand.u32 $0x1C00, v23;
	v27 =	vadd.s32 v0, v12  }
0xbf: {  	v15 =	vor.u32 v5, v15;
	v5 =	vor.u32 v16, v24;
	v6 =	vadd.s32 v1, v13  }
0xc0: {  	v11 =	vor.u32 v11, v23;
	v7 =	vadd.s32 v0, v5;
	v10 =	vadd.s32 v1, v5;
	v5 =	vld.idx.msk [tilespmem:v17+s20+$0x0], $0xffff  }
0xc1: {  	v23 =	vshll.u32 v14, $0x3;
	v14 =	vadd.s32 v0, v11;
	v11 =	vadd.s32 v1, v11;
	v24 =	vld.idx.msk [tilespmem:v25+s20+$0x0], $0xffff  }
0xc2: {  	v9 =	vld.idx.msk [tilespmem:v9+s20+$0x0], $0xffff  }
0xc3: {  	s14 =	simm.s32 $0x4;
	v36 =	vld.idx.msk [tilespmem:v27+s20+$0x0], $0xffff  }
0xc4: {  	s12 =	simm.s32 $0xF;
	s13 =	simm.s32 $0x7;
	v21 =	vand.u32 $0x7A, v21;
	v30 =	vmov s14;
	v16 =	vadd.s32 v0, v15;
	v6 =	vld.idx.msk [tilespmem:v6+s20+$0x0], $0xffff  }
0xc5: {  	v12 =	vadd.s32 v1, v12;
	v17 =	vmov s12;
	v25 =	vmov s13;
	v34 =	vld.idx.msk [tilespmem:v10+s20+$0x0], $0xffff  }
0xc6: {  	v20 =	vand.u32 $0x7F, v17;
	v29 =	vshll.u32 v25, $0x3;
	v17 =	vshll.u32 v17, $0x3;
	v11 =	vld.idx.msk [tilespmem:v11+s20+$0x0], $0xffff  }
0xc7: {  	v25 =	vand.u32 $0x77, v25;
	v14 =	vld.idx.msk [tilespmem:v14+s20+$0x0], $0xffff;
	v29 =	vand.u32 $0x1C00, v29;
	v17 =	vand.u32 $0x1C00, v17  }
0xc8: {  	v15 =	vadd.s32 v1, v15;
	v25 =	vor.u32 v25, v29;
	v29 =	vld.idx.msk [tilespmem:v7+s20+$0x0], $0xffff;
	v7 =	vor.u32 v20, v17  }
0xc9: {  	s2 =	simm.s32 $0x17100;
	v18 =	vand.u32 $0x1C00, v18;
	v20 =	vld.idx.msk [tilespmem:v16+s20+$0x0], $0xffff;
	v31 =	vadd.s32 v0, v25;
	v32 =	vadd.s32 v0, v7  }
0xca: {  	v35 =	vadd.s32 v1, v7;
	v7 =	vor.u32 v22, v18;
	v18 =	vadd.s32 v1, v25;
	[tilespmem:s2+$0xFFFFFFA0] =	vst v24  }
0xcb: {  	s21 =	simm.s32 $0x160;
	v37 =	vadd.s32 v1, v8;
	v16 =	vshll.u32 v30, $0x3;
	v17 =	vld.idx.msk [tilespmem:v12+s20+$0x0], $0xffff;
	v25 =	vadd.s32 v1, v33;
	[tilespmem:s2+$0x20] =	vst v36  }
0xcc: {  	s22 =	simm.s32 $0xA0;
	s6 =	sor.u32 $0x70, s21;
	v10 =	vadd.s32 v0, v7;
	v7 =	vadd.s32 v1, v7;
	v24 =	vadd.s32 v0, v33;
	[tilespmem:s2+$0x60] =	vst v14  }
0xcd: {  	s23 =	simm.s32 $0x6;
	s8 =	sor.u32 $0x30, s22;
	v14 =	vand.u32 $0x1C00, v16;
	v16 =	vadd.s32 v0, v8;
	v8 =	vand.u32 $0x74, v30;
	[tilespmem:s6+$0x17000] =	vst v11;
	v11 =	vld.idx.msk [tilespmem:v15+s20+$0x0], $0xffff  }
0xce: {  	v12 =	vmov s23;
	[tilespmem:s8+$0x17000] =	vst v9;
	v9 =	vor.u32 v8, v14;
	v8 =	vadd.s32 v0, v13;
	v22 =	vld.idx.msk [tilespmem:v31+s20+$0x0], $0xffff  }
0xcf: {  	s26 =	simm.s32 $0x1C0;
	v13 =	vshll.u32 v12, $0x3;
	[tilespmem:s2+$0xFFFFFF20] =	vst v20;
	v15 =	vand.u32 $0x1C00, v23;
	v20 =	vor.u32 v21, v28;
	v27 =	vld.idx.msk [tilespmem:v18+s20+$0x0], $0xffff  }
0xd0: {  	[tilespmem:s2+$0xC0] =	vst v29;
	s6 =	sor.u32 $0x50, s26;
	v26 =	vadd.s32 v0, v9;
	v14 =	vadd.s32 v1, v9;
	v9 =	vand.u32 $0x76, v12;
	v12 =	vld.idx.msk [tilespmem:v32+s20+$0x0], $0xffff  }
0xd1: {  	s28 =	simm.s32 $0x20;
	s9 =	simm.s32 $0x10;
	s11 =	simm.s32 $0x120;
	[tilespmem:s6+$0x17000] =	vst v34;
	v13 =	vand.u32 $0x1C00, v13;
	v28 =	vor.u32 v19, v15;
	v23 =	vadd.s32 v0, v20;
	v18 =	vld.idx.msk [tilespmem:v35+s20+$0x0], $0xffff  }
0xd2: {  	s30 =	simm.s32 $0xE0;
	s12 =	sor.u32 $0x30, s11;
	s6 =	sor.u32 $0x30, s28;
	v19 =	vadd.s32 v1, v20;
	v9 =	vor.u32 v9, v13;
	v13 =	vld.idx.msk [tilespmem:v37+s20+$0x0], $0xffff;
	v20 =	vadd.s32 v0, v28  }
0xd3: {  	s11 =	simm.s32 $0x3E0;
	s8 =	simm.s32 $0x1E0;
	v28 =	vadd.s32 v1, v28;
	v21 =	vadd.s32 v0, v9;
	v15 =	vadd.s32 v1, v9;
	[tilespmem:s6+$0x17000] =	vst v11;
	s6 =	sor.u32 $0x70, s30  }
.LBB2_6:
0xd4: {  	s13 =	sadd.s32 $0x1, s9  }
0xd5: {  	v11 =	vmov s9;
	s14 =	sadd.s32 $0x2, s9;
	s21 =	sadd.s32 $0x3, s9;
	v14 =	vld.idx.msk [tilespmem:v14+s20+$0x0], $0xffff;
	[tilespmem:s12+$0x17000] =	vst v17;
	v4 =	vadd.s32 v1, v4;
	s12 =	smov.u32 s9  }
0xd6: {  	v29 =	vmov s13;
	v17 =	vmov s14;
	v30 =	vmov s21;
	s13 =	sadd.s32 $0x5, s9;
	s14 =	sadd.s32 $0x7, s9;
	s21 =	sadd.s32 $0xC, s9;
	v25 =	vld.idx.msk [tilespmem:v25+s20+$0x0], $0xffff  }
0xd7: {  	s22 =	sadd.s32 $0x8, s9;
	s23 =	sadd.s32 $0x9, s9;
	s26 =	sadd.s32 $0xB, s9;
	v31 =	vand.u32 $0x73, v30;
	v32 =	vmov s13;
	v33 =	vmov s21;
	v26 =	vld.idx.msk [tilespmem:v26+s20+$0x0], $0xffff;
	[tilespmem:s2+$0xFFFFFFE0] =	vst v22  }
0xd8: {  	v34 =	vmov s23;
	s23 =	sadd.s32 $0xE, s9;
	s13 =	sadd.s32 $0x4, s9;
	s21 =	sadd.s32 $0xD, s9;
	v22 =	vand.u32 $0x75, v32;
	v35 =	vshll.u32 v33, $0x3;
	v24 =	vld.idx.msk [tilespmem:v24+s20+$0x0], $0xffff;
	[tilespmem:s6+$0x17000] =	vst v27  }
0xd9: {  	p1 =	slt.u32 s9, $0x3F0;
	v37 =	vmov s23;
	s9 =	sadd.s32 $0x10, s9;
	v27 =	vmov s22;
	s6 =	sadd.s32 $0xA, s12;
	v36 =	vmov s21;
	v38 =	vld.idx.msk [tilespmem:v16+s20+$0x0], $0xffff  }
0xda: {  	v39 =	vshll.u32 v29, $0x3;
	v16 =	vshll.u32 v17, $0x3;
	v9 =	vand.u32 $0x78, v27;
	v40 =	vld.idx.msk [tilespmem:v4+s20+$0x0], $0xffff  }
0xdb: {  	v41 =	vshll.u32 v34, $0x3;
	v16 =	vand.u32 $0x1C00, v16;
	v4 =	vmov s6;
	v28 =	vld.idx.msk [tilespmem:v28+s20+$0x0], $0xffff;
	[tilespmem:s2+$0x80] =	vst v5  }
0xdc: {  	v34 =	vand.u32 $0x79, v34;
	v17 =	vand.u32 $0x72, v17;
	v5 =	vand.u32 $0x7C, v33;
	v10 =	vld.idx.msk [tilespmem:v10+s20+$0x0], $0xffff;
	[tilespmem:s2+$0xE0] =	vst v12  }
0xdd: {  	v43 =	vshll.u32 v37, $0x3;
	v42 =	vshll.u32 v36, $0x3;
	s6 =	sor.u32 $0x70, s8;
	v33 =	vshll.u32 v4, $0x3;
	[tilespmem:s2+$0xFFFFFF80] =	vst v26;
	v23 =	vld.idx.msk [tilespmem:v23+s20+$0x0], $0xffff  }
0xde: {  	v12 =	vand.u32 $0x7A, v4;
	v26 =	vshll.u32 v30, $0x3;
	v30 =	vand.u32 $0x1C00, v42;
	v21 =	vld.idx.msk [tilespmem:v21+s20+$0x0], $0xffff;
	[tilespmem:s6+$0x17000] =	vst v18  }
0xdf: {  	v4 =	vand.u32 $0x1C00, v35;
	v35 =	vand.u32 $0x7E, v37;
	v18 =	vand.u32 $0x7D, v36;
	[tilespmem:s2+$0xFFFFFF60] =	vst v38;
	v19 =	vld.idx.msk [tilespmem:v19+s20+$0x0], $0xffff  }
0xe0: {  	v4 =	vor.u32 v5, v4;
	v36 =	vmov s26;
	v18 =	vor.u32 v18, v30;
	v20 =	vld.idx.msk [tilespmem:v20+s20+$0x0], $0xffff;
	[tilespmem:s2+$0x90] =	vst v40  }
0xe1: {  	v5 =	vshll.u32 v32, $0x3;
	v32 =	vadd.s32 v0, v4;
	v30 =	vand.u32 $0x1C00, v39;
	[tilespmem:s2+$0xFFFFFF00] =	vst v24;
	v7 =	vld.idx.msk [tilespmem:v7+s20+$0x0], $0xffff  }
0xe2: {  	v5 =	vand.u32 $0x1C00, v5;
	v24 =	vand.u32 $0x1C00, v26;
	v26 =	vshll.u32 v36, $0x3;
	[tilespmem:s2+$0xFFFFFF10] =	vst v25;
	v8 =	vld.idx.msk [tilespmem:v8+s20+$0x0], $0xffff  }
0xe3: {  	s6 =	sadd.s32 $0xFFFFFE80, s8;
	v5 =	vor.u32 v22, v5;
	v22 =	vand.u32 $0x7B, v36;
	v25 =	vand.u32 $0x1C00, v26;
	v15 =	vld.idx.msk [tilespmem:v15+s20+$0x0], $0xffff;
	[tilespmem:s2+$0x40] =	vst v23  }
0xe4: {  	s6 =	sor.u32 $0x70, s6;
	v26 =	vadd.s32 v1, v5;
	v23 =	vadd.s32 v0, v5;
	v5 =	vor.u32 v22, v25;
	[tilespmem:s2+$0x10] =	vst v28  }
0xe5: {  	v28 =	vshll.u32 v27, $0x3;
	v22 =	vadd.s32 v0, v5;
	v25 =	vadd.s32 v1, v5;
	[tilespmem:s6+$0x17000] =	vst v13  }
0xe6: {  	v27 =	vand.u32 $0x1C00, v41;
	v13 =	vand.u32 $0x71, v29;
	v29 =	vand.u32 $0x1C00, v43;
	s6 =	sadd.s32 $0xFFFFFF60, s8;
	v5 =	vld.idx.msk [tilespmem:v32+s20+$0x0], $0xffff;
	[tilespmem:s2+$0xFFFFFF40] =	vst v10  }
0xe7: {  	s21 =	sadd.s32 $0xFFFFFEE0, s8;
	v10 =	vor.u32 v13, v30;
	v13 =	vand.u32 $0x1C00, v33;
	v29 =	vor.u32 v35, v29;
	s6 =	sor.u32 $0x50, s6;
	[tilespmem:s2+$0xFFFFFFC0] =	vst v21  }
0xe8: {  	s22 =	sadd.s32 $0xF, s12;
	s21 =	sor.u32 $0x50, s21;
	v21 =	vor.u32 v31, v24;
	v24 =	vadd.s32 v0, v29;
	v29 =	vadd.s32 v1, v29;
	[tilespmem:s6+$0x17000] =	vst v19  }
0xe9: {  	v30 =	vadd.s32 v1, v10;
	v19 =	vadd.s32 v0, v10;
	v10 =	vld.idx.msk [tilespmem:v23+s20+$0x0], $0xffff;
	v23 =	vmov s22;
	[tilespmem:s21+$0x17000] =	vst v15  }
0xea: {  	v27 =	vor.u32 v34, v27;
	v15 =	vmov s14;
	v25 =	vld.idx.msk [tilespmem:v25+s20+$0x0], $0xffff;
	v31 =	vand.u32 $0x7F, v23;
	[tilespmem:s2+$0xA0] =	vst v8  }
0xeb: {  	v32 =	vadd.s32 v0, v27;
	v27 =	vadd.s32 v1, v27;
	s6 =	sadd.s32 $0xFFFFFE60, s8;
	s14 =	sadd.s32 $0xFFFFFFC0, s8;
	s8 =	smov.u32 s11;
	v8 =	vshll.u32 v11, $0x3;
	v22 =	vld.idx.msk [tilespmem:v22+s20+$0x0], $0xffff;
	[tilespmem:s2+$0x0] =	vst v20  }
0xec: {  	s6 =	sor.u32 $0x50, s6;
	v23 =	vshll.u32 v23, $0x3;
	s14 =	sor.u32 $0x30, s14;
	v8 =	vand.u32 $0x1C00, v8;
	v20 =	vshll.u32 v15, $0x3;
	[tilespmem:s2+$0xFFFFFF90] =	vst v14  }
0xed: {  	v15 =	vand.u32 $0x77, v15;
	v23 =	vand.u32 $0x1C00, v23;
	v20 =	vand.u32 $0x1C00, v20;
	v14 =	vld.idx.msk [tilespmem:v26+s20+$0x0], $0xffff;
	[tilespmem:s6+$0x17000] =	vst v7  }
0xee: {  	s2 =	sadd.s32 $0x200, s2;
	v7 =	vand.u32 $0x70, v11;
	v11 =	vor.u32 v15, v20;
	v20 =	vor.u32 v31, v23;
	v15 =	vld.idx.msk [tilespmem:v24+s20+$0x0], $0xffff;
	[tilespmem:s14+$0x17000] =	vst v6  }
0xef: {  	v23 =	vadd.s32 v0, v11;
	v31 =	vadd.s32 v0, v20;
	v6 =	vld.idx.msk [tilespmem:v19+s20+$0x0], $0xffff;
	v19 =	vmov s13;
	[tilespmem:s2+$0xFFFFFFA0] =	vst v10  }
0xf0: {  	v33 =	vadd.s32 v1, v18;
	s6 =	sadd.s32 $0xFFFFFF80, s11;
	v24 =	vor.u32 v7, v8;
	v20 =	vadd.s32 v1, v20;
	v29 =	vld.idx.msk [tilespmem:v29+s20+$0x0], $0xffff  }
0xf1: {  	v7 =	vor.u32 v17, v16;
	v11 =	vadd.s32 v1, v11;
	s6 =	sor.u32 $0x70, s6;
	s13 =	sadd.s32 $0xFFFFFEC0, s11;
	v8 =	vshll.u32 v19, $0x3;
	v32 =	vld.idx.msk [tilespmem:v32+s20+$0x0], $0xffff;
	[tilespmem:s2+$0x60] =	vst v22  }
0xf2: {  	v10 =	vadd.s32 v0, v7;
	v7 =	vadd.s32 v1, v7;
	s13 =	sor.u32 $0x30, s13;
	v8 =	vand.u32 $0x1C00, v8;
	v17 =	vld.idx.msk [tilespmem:v27+s20+$0x0], $0xffff;
	[tilespmem:s6+$0x17000] =	vst v25  }
0xf3: {  	v34 =	vadd.s32 v1, v21;
	v16 =	vadd.s32 v0, v21;
	v19 =	vand.u32 $0x74, v19;
	s6 =	sadd.s32 $0x6, s12;
	v30 =	vld.idx.msk [tilespmem:v30+s20+$0x0], $0xffff;
	[tilespmem:s13+$0x17000] =	vst v14  }
0xf4: {  	v14 =	vor.u32 v19, v8;
	v19 =	vmov s6;
	v8 =	vadd.s32 v0, v18;
	s6 =	sadd.s32 $0xFFFFFFE0, s11;
	v22 =	vld.idx.msk [tilespmem:v23+s20+$0x0], $0xffff;
	[tilespmem:s2+$0xC0] =	vst v15  }
0xf5: {  	v25 =	vadd.s32 v1, v24;
	v26 =	vadd.s32 v0, v14;
	v15 =	vshll.u32 v19, $0x3;
	s6 =	sor.u32 $0x50, s6;
	[tilespmem:s2+$0xFFFFFF20] =	vst v6;
	v6 =	vld.idx.msk [tilespmem:v33+s20+$0x0], $0xffff  }
.Ltmp7:
0xf6: {  	v24 =	vadd.s32 v0, v24;
	v14 =	vadd.s32 v1, v14;
	v18 =	vand.u32 $0x76, v19;
	v27 =	vld.idx.msk [tilespmem:v11+s20+$0x0], $0xffff;
	[tilespmem:s6+$0x17000] =	vst v29;
	(pc) =	sbr.rel @p1 .LBB2_6-.Ltmp7, $4  }
0xf7: {  	v13 =	vor.u32 v12, v13;
	s6 =	sadd.s32 $0xFFFFFE40, s11;
	v11 =	vand.u32 $0x1C00, v15;
	v15 =	vand.u32 $0x1C00, v28;
	v12 =	vld.idx.msk [tilespmem:v31+s20+$0x0], $0xffff  }
0xf8: {  	v23 =	vadd.s32 v0, v13;
	s6 =	sor.u32 $0x30, s6;
	v11 =	vor.u32 v18, v11;
	v9 =	vor.u32 v9, v15;
	v18 =	vld.idx.msk [tilespmem:v20+s20+$0x0], $0xffff  }
0xf9: {  	s12 =	sadd.s32 $0xFFFFFF40, s11;
	v19 =	vadd.s32 v1, v13;
	v21 =	vadd.s32 v0, v11;
	v15 =	vadd.s32 v1, v11;
	[tilespmem:s6+$0x17000] =	vst v30;
	s6 =	sadd.s32 $0xFFFFFF00, s11  }
0xfa: {  	s12 =	sor.u32 $0x30, s12;
	v20 =	vadd.s32 v0, v9;
	v28 =	vadd.s32 v1, v9;
	s11 =	sadd.s32 $0x200, s11;
	v13 =	vld.idx.msk [tilespmem:v34+s20+$0x0], $0xffff;
	s6 =	sor.u32 $0x70, s6;
	[tilespmem:s2+$0x20] =	vst v32  }
0xfb: {  	_ =	sdelay $0x3  }
0xfc: {  	v9 =	vld.idx.msk [tilespmem:v14+s20+$0x0], $0xffff  }
0xfd: {  	v4 =	vadd.s32 v1, v4;
	[tilespmem:s12+$0x17000] =	vst v17;
	v11 =	vld.idx.msk [tilespmem:v26+s20+$0x0], $0xffff  }
0xfe: {  	[tilespmem:s2+$0xFFFFFFE0] =	vst v22;
	v58 =	vld.idx.msk [tilespmem:v16+s20+$0x0], $0xffff  }
0xff: {  	v59 =	vld.idx.msk [tilespmem:v25+s20+$0x0], $0xffff;
	[tilespmem:s6+$0x17000] =	vst v27  }
0x100: {  	s21 =	sor.u32 $0x70, s8;
	v10 =	vld.idx.msk [tilespmem:v10+s20+$0x0], $0xffff;
	[tilespmem:s2+$0xE0] =	vst v12  }
0x101: {  	v62 =	vld.idx.msk [tilespmem:v21+s20+$0x0], $0xffff;
	[tilespmem:s21+$0x17000] =	vst v18  }
0x102: {  	v4 =	vld.idx.msk [tilespmem:v4+s20+$0x0], $0xffff;
	[tilespmem:s2+$0x80] =	vst v5  }
0x103: {  	v8 =	vld.idx.msk [tilespmem:v8+s20+$0x0], $0xffff;
	[tilespmem:s2+$0xFFFFFF80] =	vst v11  }
0x104: {  	v7 =	vld.idx.msk [tilespmem:v7+s20+$0x0], $0xffff;
	[tilespmem:s2+$0xFFFFFF60] =	vst v58  }
0x105: {  	v5 =	vld.idx.msk [tilespmem:v24+s20+$0x0], $0xffff;
	[tilespmem:s2+$0xFFFFFF10] =	vst v59  }
0x106: {  	v63 =	vld.idx.msk [tilespmem:v15+s20+$0x0], $0xffff;
	[tilespmem:s2+$0xFFFFFF40] =	vst v10  }
0x107: {  	[tilespmem:s2+$0xFFFFFFC0] =	vst v62  }
0x108: {  	s22 =	sadd.s32 $0xFFFFFE80, s8;
	[tilespmem:s2+$0xA0] =	vst v8  }
0x109: {  	s9 =	sadd.s32 $0xFFFFFEE0, s8;
	s6 =	sor.u32 $0x70, s22;
	[tilespmem:s2+$0xFFFFFF90] =	vst v9  }
0x10a: {  	v61 =	vld.idx.msk [tilespmem:v23+s20+$0x0], $0xffff;
	s9 =	sor.u32 $0x50, s9;
	[tilespmem:s6+$0x17000] =	vst v13  }
0x10b: {  	v60 =	vld.idx.msk [tilespmem:v28+s20+$0x0], $0xffff;
	[tilespmem:s9+$0x17000] =	vst v63  }
0x10c: {  	s28 =	sadd.s32 $0xFFFFFFC0, s8;
	[tilespmem:s2+$0x90] =	vst v4;
	v4 =	vld.idx.msk [tilespmem:v19+s20+$0x0], $0xffff  }
0x10d: {  	s30 =	sor.u32 $0x30, s28;
	[tilespmem:s2+$0xFFFFFF00] =	vst v5;
	v5 =	vld.idx.msk [tilespmem:v20+s20+$0x0], $0xffff  }
0x10e: {  	[tilespmem:s30+$0x17000] =	vst v6  }
0x10f: {  	s23 =	sadd.s32 $0xFFFFFF60, s8;
	[tilespmem:s2+$0x40] =	vst v61  }
0x110: {  	s6 =	sor.u32 $0x50, s23;
	[tilespmem:s2+$0x10] =	vst v60  }
0x111: {  	s26 =	sadd.s32 $0xFFFFFE60, s8;
	s0 =	sshll.u32 s0, $0xC;
	[tilespmem:s6+$0x17000] =	vst v4  }
0x112: {  	s0 =	sand.u32 $0x1FFFF000, s0;
	[tilespmem:s2+$0x0] =	vst v5;
	s6 =	sor.u32 $0x50, s26  }
.Ltmp8:
0x113: {  	s0 =	sadd.s32 s5, s0;
	[tilespmem:s6+$0x17000] =	vst v7;
	(pc) =	sbr.rel .LBB2_8-.Ltmp8, $4  }
0x114: {  	[hbm4b:s0+s3] =	stream.linear.scatter [tilespmem:s24], [sflag:$0x2], $0x8000, $0x38;
	[tilespmem:$0x1F000] =	vst v63  }
0x115: {  	_ =	swait.ge [sflag:s25], $0x8000  }
0x116: {  	[sflag:s25] =	ssyncset.done $0x0  }
0x117: {  	[sflag:s25] =	ssyncadd.s32 $0xFFFF8000  }
.LBB2_10:
0x118: {  	s0 =	simm.s32 $0x0;
	s21 =	simm.s32 $0x1  }
0x119: {  	s2 =	simm.s32 $0x2;
	s6 =	simm.s32 $0x3;
	s22 =	simm.s32 $0x5;
	v6 =	vmov s0;
	v5 =	vmov s21  }
0x11a: {  	s23 =	simm.s32 $0xC;
	s26 =	simm.s32 $0x9;
	s28 =	simm.s32 $0x8;
	v4 =	vmov s2;
	v7 =	vmov s6;
	v10 =	vmov s22  }
0x11b: {  	s30 =	simm.s32 $0xD;
	s31 =	simm.s32 $0xE;
	s8 =	simm.s32 $0xB;
	v11 =	vmov s23;
	v13 =	vmov s26;
	v15 =	vmov s28  }
0x11c: {  	s14 =	simm.s32 $0x7;
	v16 =	vmov s30;
	v17 =	vmov s31;
	v25 =	vmov s8  }
0x11d: {  	v26 =	vmov s14;
	v8 =	vand.u32 $0x73, v7;
	v12 =	vand.u32 $0x75, v10  }
0x11e: {  	s6 =	simm.s32 $0xA;
	v14 =	vshll.u32 v11, $0x3;
	v18 =	vshll.u32 v5, $0x3;
	v19 =	vshll.u32 v4, $0x3  }
0x11f: {  	v9 =	vand.u32 $0x78, v15;
	v20 =	vshll.u32 v13, $0x3;
	v21 =	vmov s6  }
0x120: {  	v22 =	vand.u32 $0x72, v4;
	v13 =	vand.u32 $0x79, v13;
	v4 =	vand.u32 $0x7C, v11  }
0x121: {  	v23 =	vshll.u32 v16, $0x3;
	v24 =	vshll.u32 v17, $0x3;
	v7 =	vshll.u32 v7, $0x3  }
0x122: {  	v16 =	vand.u32 $0x7D, v16;
	v17 =	vand.u32 $0x7E, v17;
	v10 =	vshll.u32 v10, $0x3  }
0x123: {  	v15 =	vshll.u32 v15, $0x3;
	v5 =	vand.u32 $0x71, v5;
	v27 =	vshll.u32 v6, $0x3  }
0x124: {  	v29 =	vshll.u32 v26, $0x3;
	v6 =	vand.u32 $0x70, v6;
	v19 =	vand.u32 $0x1C00, v19  }
0x125: {  	v11 =	vshll.u32 v21, $0x3;
	v21 =	vand.u32 $0x7A, v21;
	v23 =	vand.u32 $0x1C00, v23  }
0x126: {  	v14 =	vand.u32 $0x1C00, v14;
	v7 =	vand.u32 $0x1C00, v7;
	v10 =	vand.u32 $0x1C00, v10  }
0x127: {  	v20 =	vand.u32 $0x1C00, v20;
	v4 =	vor.u32 v4, v14;
	v14 =	vor.u32 v16, v23  }
0x128: {  	s9 =	rddreg [dreg:$0x4];
	s11 =	simm.s32 $0x1400;
	s12 =	simm.s32 $0x7A1400;
	v16 =	vand.u32 $0x1C00, v18;
	v10 =	vor.u32 v12, v10;
	v18 =	vadd.s32 v2, v4  }
0x129: {  	[tilespmem:s29], [sflag:$0x1] =	stream.strided.gather [hbm4b:s9+s11], $0x5000, s12, s11, $0x38;
	v23 =	vshll.u32 v25, $0x3;
	v12 =	vand.u32 $0x7B, v25;
	v25 =	vadd.s32 v2, v10;
	[tilespmem:$0x1F000] =	vst v63  }
0x12a: {  	_ =	swait.ge [sflag:s19], $0x5000;
	v24 =	vand.u32 $0x1C00, v24;
	v13 =	vor.u32 v13, v20;
	v10 =	vadd.s32 v3, v10  }
0x12b: {  	[sflag:s19] =	ssyncset.done $0x0;
	v16 =	vor.u32 v5, v16;
	v5 =	vor.u32 v17, v24;
	v28 =	vadd.s32 v2, v13  }
0x12c: {  	[sflag:s19] =	ssyncadd.s32 $0xFFFFB000;
	v8 =	vor.u32 v8, v7;
	v23 =	vand.u32 $0x1C00, v23;
	v7 =	vadd.s32 v2, v5  }
0x12d: {  	v27 =	vand.u32 $0x1C00, v27;
	v12 =	vor.u32 v12, v23;
	v17 =	vadd.s32 v3, v5;
	v5 =	vld.idx.msk [tilespmem:v18+s29+$0x0], $0xffff  }
0x12e: {  	s13 =	simm.s32 $0xF;
	v15 =	vand.u32 $0x1C00, v15;
	v11 =	vand.u32 $0x1C00, v11;
	v23 =	vadd.s32 v2, v12;
	v25 =	vld.idx.msk [tilespmem:v25+s29+$0x0], $0xffff  }
0x12f: {  	v27 =	vor.u32 v6, v27;
	v24 =	vmov s13;
	v12 =	vadd.s32 v3, v12;
	v30 =	vld.idx.msk [tilespmem:v10+s29+$0x0], $0xffff  }
0x130: {  	v13 =	vadd.s32 v3, v13;
	v10 =	vand.u32 $0x77, v26;
	v26 =	vand.u32 $0x1C00, v29;
	v33 =	vld.idx.msk [tilespmem:v28+s29+$0x0], $0xffff  }
0x131: {  	v20 =	vand.u32 $0x7F, v24;
	v24 =	vshll.u32 v24, $0x3;
	v10 =	vor.u32 v10, v26;
	v26 =	vld.idx.msk [tilespmem:v7+s29+$0x0], $0xffff  }
0x132: {  	s21 =	simm.s32 $0x4;
	v6 =	vadd.s32 v3, v14;
	v24 =	vand.u32 $0x1C00, v24;
	v18 =	vadd.s32 v2, v16;
	v31 =	vld.idx.msk [tilespmem:v17+s29+$0x0], $0xffff  }
0x133: {  	s0 =	simm.s32 $0x17100;
	v16 =	vadd.s32 v3, v16;
	v7 =	vor.u32 v20, v24;
	v20 =	vmov s21;
	v23 =	vld.idx.msk [tilespmem:v23+s29+$0x0], $0xffff  }
0x134: {  	s23 =	simm.s32 $0xA0;
	v12 =	vld.idx.msk [tilespmem:v12+s29+$0x0], $0xffff;
	v24 =	vadd.s32 v2, v10;
	v29 =	vadd.s32 v2, v7;
	v17 =	vshll.u32 v20, $0x3;
	[tilespmem:s0+$0xFFFFFFA0] =	vst v25  }
0x135: {  	s6 =	sor.u32 $0x30, s23;
	v32 =	vadd.s32 v3, v7;
	v7 =	vor.u32 v22, v19;
	v22 =	vand.u32 $0x1C00, v17;
	v17 =	vld.idx.msk [tilespmem:v13+s29+$0x0], $0xffff;
	[tilespmem:s0+$0x20] =	vst v33  }
0x136: {  	v9 =	vor.u32 v9, v15;
	v11 =	vor.u32 v21, v11;
	v19 =	vadd.s32 v3, v10;
	[tilespmem:s6+$0x17000] =	vst v30  }
0x137: {  	s22 =	simm.s32 $0x160;
	s26 =	simm.s32 $0x6;
	v28 =	vadd.s32 v3, v8;
	v10 =	vadd.s32 v2, v7;
	v18 =	vld.idx.msk [tilespmem:v18+s29+$0x0], $0xffff;
	[tilespmem:s0+$0xC0] =	vst v26  }
0x138: {  	s2 =	sor.u32 $0x70, s22;
	v13 =	vld.idx.msk [tilespmem:v16+s29+$0x0], $0xffff;
	v16 =	vadd.s32 v2, v8;
	v8 =	vand.u32 $0x74, v20;
	v20 =	vmov s26;
	[tilespmem:s0+$0x60] =	vst v23  }
0x139: {  	s28 =	simm.s32 $0x1C0;
	v6 =	vld.idx.msk [tilespmem:v6+s29+$0x0], $0xffff;
	v7 =	vadd.s32 v3, v7;
	v25 =	vadd.s32 v3, v27;
	v23 =	vshll.u32 v20, $0x3;
	[tilespmem:s2+$0x17000] =	vst v12  }
0x13a: {  	v12 =	vor.u32 v8, v22;
	v22 =	vld.idx.msk [tilespmem:v24+s29+$0x0], $0xffff;
	v8 =	vadd.s32 v2, v14;
	s2 =	sor.u32 $0x50, s28;
	v24 =	vadd.s32 v2, v27  }
0x13b: {  	s30 =	simm.s32 $0x20;
	v27 =	vld.idx.msk [tilespmem:v19+s29+$0x0], $0xffff;
	v19 =	vand.u32 $0x1C00, v23;
	v23 =	vadd.s32 v2, v11;
	v14 =	vadd.s32 v3, v12;
	[tilespmem:s2+$0x17000] =	vst v31  }
0x13c: {  	s9 =	simm.s32 $0x120;
	s6 =	sor.u32 $0x30, s30;
	v26 =	vadd.s32 v2, v12;
	v12 =	vld.idx.msk [tilespmem:v29+s29+$0x0], $0xffff;
	[tilespmem:s0+$0xFFFFFF20] =	vst v18;
	v18 =	vand.u32 $0x76, v20;
	v20 =	vadd.s32 v2, v9  }
0x13d: {  	s8 =	simm.s32 $0x10;
	s31 =	simm.s32 $0xE0;
	s11 =	sor.u32 $0x30, s9;
	v19 =	vor.u32 v18, v19;
	[tilespmem:s6+$0x17000] =	vst v13;
	v13 =	vld.idx.msk [tilespmem:v28+s29+$0x0], $0xffff;
	v28 =	vadd.s32 v3, v9  }
0x13e: {  	s9 =	simm.s32 $0x3E0;
	s2 =	simm.s32 $0x1E0;
	v18 =	vld.idx.msk [tilespmem:v32+s29+$0x0], $0xffff;
	s6 =	sor.u32 $0x70, s31;
	v21 =	vadd.s32 v2, v19;
	v15 =	vadd.s32 v3, v19;
	v19 =	vadd.s32 v3, v11  }
.LBB2_11:
0x13f: {  	s12 =	sadd.s32 $0x1, s8  }
0x140: {  	v11 =	vmov s8;
	s13 =	sadd.s32 $0x2, s8;
	s14 =	sadd.s32 $0x3, s8;
	v14 =	vld.idx.msk [tilespmem:v14+s29+$0x0], $0xffff;
	[tilespmem:s11+$0x17000] =	vst v17;
	v4 =	vadd.s32 v3, v4;
	s11 =	smov.u32 s8  }
0x141: {  	v29 =	vmov s12;
	v17 =	vmov s13;
	v30 =	vmov s14;
	s12 =	sadd.s32 $0x5, s8;
	s13 =	sadd.s32 $0x7, s8;
	s14 =	sadd.s32 $0xC, s8;
	v25 =	vld.idx.msk [tilespmem:v25+s29+$0x0], $0xffff  }
0x142: {  	s21 =	sadd.s32 $0x8, s8;
	s22 =	sadd.s32 $0x9, s8;
	s23 =	sadd.s32 $0xB, s8;
	v31 =	vand.u32 $0x73, v30;
	v32 =	vmov s12;
	v33 =	vmov s14;
	v26 =	vld.idx.msk [tilespmem:v26+s29+$0x0], $0xffff;
	[tilespmem:s0+$0xFFFFFFE0] =	vst v22  }
0x143: {  	v34 =	vmov s22;
	s22 =	sadd.s32 $0xE, s8;
	s12 =	sadd.s32 $0x4, s8;
	s14 =	sadd.s32 $0xD, s8;
	v22 =	vand.u32 $0x75, v32;
	v35 =	vshll.u32 v33, $0x3;
	v24 =	vld.idx.msk [tilespmem:v24+s29+$0x0], $0xffff;
	[tilespmem:s6+$0x17000] =	vst v27  }
0x144: {  	p1 =	slt.u32 s8, $0x230;
	v37 =	vmov s22;
	s8 =	sadd.s32 $0x10, s8;
	v27 =	vmov s21;
	s6 =	sadd.s32 $0xA, s11;
	v36 =	vmov s14;
	v38 =	vld.idx.msk [tilespmem:v16+s29+$0x0], $0xffff  }
0x145: {  	v39 =	vshll.u32 v29, $0x3;
	v16 =	vshll.u32 v17, $0x3;
	v9 =	vand.u32 $0x78, v27;
	v40 =	vld.idx.msk [tilespmem:v4+s29+$0x0], $0xffff  }
0x146: {  	v41 =	vshll.u32 v34, $0x3;
	v16 =	vand.u32 $0x1C00, v16;
	v4 =	vmov s6;
	v28 =	vld.idx.msk [tilespmem:v28+s29+$0x0], $0xffff;
	[tilespmem:s0+$0x80] =	vst v5  }
0x147: {  	v34 =	vand.u32 $0x79, v34;
	v17 =	vand.u32 $0x72, v17;
	v5 =	vand.u32 $0x7C, v33;
	v10 =	vld.idx.msk [tilespmem:v10+s29+$0x0], $0xffff;
	[tilespmem:s0+$0xE0] =	vst v12  }
0x148: {  	v43 =	vshll.u32 v37, $0x3;
	v42 =	vshll.u32 v36, $0x3;
	s6 =	sor.u32 $0x70, s2;
	v33 =	vshll.u32 v4, $0x3;
	[tilespmem:s0+$0xFFFFFF80] =	vst v26;
	v23 =	vld.idx.msk [tilespmem:v23+s29+$0x0], $0xffff  }
0x149: {  	v12 =	vand.u32 $0x7A, v4;
	v26 =	vshll.u32 v30, $0x3;
	v30 =	vand.u32 $0x1C00, v42;
	v21 =	vld.idx.msk [tilespmem:v21+s29+$0x0], $0xffff;
	[tilespmem:s6+$0x17000] =	vst v18  }
0x14a: {  	v4 =	vand.u32 $0x1C00, v35;
	v35 =	vand.u32 $0x7E, v37;
	v18 =	vand.u32 $0x7D, v36;
	[tilespmem:s0+$0xFFFFFF60] =	vst v38;
	v19 =	vld.idx.msk [tilespmem:v19+s29+$0x0], $0xffff  }
0x14b: {  	v4 =	vor.u32 v5, v4;
	v36 =	vmov s23;
	v18 =	vor.u32 v18, v30;
	v20 =	vld.idx.msk [tilespmem:v20+s29+$0x0], $0xffff;
	[tilespmem:s0+$0x90] =	vst v40  }
0x14c: {  	v5 =	vshll.u32 v32, $0x3;
	v32 =	vadd.s32 v2, v4;
	v30 =	vand.u32 $0x1C00, v39;
	[tilespmem:s0+$0xFFFFFF00] =	vst v24;
	v7 =	vld.idx.msk [tilespmem:v7+s29+$0x0], $0xffff  }
0x14d: {  	v5 =	vand.u32 $0x1C00, v5;
	v24 =	vand.u32 $0x1C00, v26;
	v26 =	vshll.u32 v36, $0x3;
	[tilespmem:s0+$0xFFFFFF10] =	vst v25;
	v8 =	vld.idx.msk [tilespmem:v8+s29+$0x0], $0xffff  }
0x14e: {  	s6 =	sadd.s32 $0xFFFFFE80, s2;
	v5 =	vor.u32 v22, v5;
	v22 =	vand.u32 $0x7B, v36;
	v25 =	vand.u32 $0x1C00, v26;
	v15 =	vld.idx.msk [tilespmem:v15+s29+$0x0], $0xffff;
	[tilespmem:s0+$0x40] =	vst v23  }
0x14f: {  	s6 =	sor.u32 $0x70, s6;
	v26 =	vadd.s32 v3, v5;
	v23 =	vadd.s32 v2, v5;
	v5 =	vor.u32 v22, v25;
	[tilespmem:s0+$0x10] =	vst v28  }
0x150: {  	v28 =	vshll.u32 v27, $0x3;
	v22 =	vadd.s32 v2, v5;
	v25 =	vadd.s32 v3, v5;
	[tilespmem:s6+$0x17000] =	vst v13  }
0x151: {  	v27 =	vand.u32 $0x1C00, v41;
	v13 =	vand.u32 $0x71, v29;
	v29 =	vand.u32 $0x1C00, v43;
	s6 =	sadd.s32 $0xFFFFFF60, s2;
	v5 =	vld.idx.msk [tilespmem:v32+s29+$0x0], $0xffff;
	[tilespmem:s0+$0xFFFFFF40] =	vst v10  }
0x152: {  	s14 =	sadd.s32 $0xFFFFFEE0, s2;
	v10 =	vor.u32 v13, v30;
	v13 =	vand.u32 $0x1C00, v33;
	v29 =	vor.u32 v35, v29;
	s6 =	sor.u32 $0x50, s6;
	[tilespmem:s0+$0xFFFFFFC0] =	vst v21  }
0x153: {  	s21 =	sadd.s32 $0xF, s11;
	s14 =	sor.u32 $0x50, s14;
	v21 =	vor.u32 v31, v24;
	v24 =	vadd.s32 v2, v29;
	v29 =	vadd.s32 v3, v29;
	[tilespmem:s6+$0x17000] =	vst v19  }
0x154: {  	v30 =	vadd.s32 v3, v10;
	v19 =	vadd.s32 v2, v10;
	v10 =	vld.idx.msk [tilespmem:v23+s29+$0x0], $0xffff;
	v23 =	vmov s21;
	[tilespmem:s14+$0x17000] =	vst v15  }
0x155: {  	v27 =	vor.u32 v34, v27;
	v15 =	vmov s13;
	v25 =	vld.idx.msk [tilespmem:v25+s29+$0x0], $0xffff;
	v31 =	vand.u32 $0x7F, v23;
	[tilespmem:s0+$0xA0] =	vst v8  }
0x156: {  	v32 =	vadd.s32 v2, v27;
	v27 =	vadd.s32 v3, v27;
	s6 =	sadd.s32 $0xFFFFFE60, s2;
	s13 =	sadd.s32 $0xFFFFFFC0, s2;
	s2 =	smov.u32 s9;
	v8 =	vshll.u32 v11, $0x3;
	v22 =	vld.idx.msk [tilespmem:v22+s29+$0x0], $0xffff;
	[tilespmem:s0+$0x0] =	vst v20  }
0x157: {  	s6 =	sor.u32 $0x50, s6;
	v23 =	vshll.u32 v23, $0x3;
	s13 =	sor.u32 $0x30, s13;
	v8 =	vand.u32 $0x1C00, v8;
	v20 =	vshll.u32 v15, $0x3;
	[tilespmem:s0+$0xFFFFFF90] =	vst v14  }
0x158: {  	v15 =	vand.u32 $0x77, v15;
	v23 =	vand.u32 $0x1C00, v23;
	v20 =	vand.u32 $0x1C00, v20;
	v14 =	vld.idx.msk [tilespmem:v26+s29+$0x0], $0xffff;
	[tilespmem:s6+$0x17000] =	vst v7  }
0x159: {  	s0 =	sadd.s32 $0x200, s0;
	v7 =	vand.u32 $0x70, v11;
	v11 =	vor.u32 v15, v20;
	v20 =	vor.u32 v31, v23;
	v15 =	vld.idx.msk [tilespmem:v24+s29+$0x0], $0xffff;
	[tilespmem:s13+$0x17000] =	vst v6  }
0x15a: {  	v23 =	vadd.s32 v2, v11;
	v31 =	vadd.s32 v2, v20;
	v6 =	vld.idx.msk [tilespmem:v19+s29+$0x0], $0xffff;
	v19 =	vmov s12;
	[tilespmem:s0+$0xFFFFFFA0] =	vst v10  }
0x15b: {  	v33 =	vadd.s32 v3, v18;
	s6 =	sadd.s32 $0xFFFFFF80, s9;
	v24 =	vor.u32 v7, v8;
	v20 =	vadd.s32 v3, v20;
	v29 =	vld.idx.msk [tilespmem:v29+s29+$0x0], $0xffff  }
0x15c: {  	v7 =	vor.u32 v17, v16;
	v11 =	vadd.s32 v3, v11;
	s6 =	sor.u32 $0x70, s6;
	s12 =	sadd.s32 $0xFFFFFEC0, s9;
	v8 =	vshll.u32 v19, $0x3;
	v32 =	vld.idx.msk [tilespmem:v32+s29+$0x0], $0xffff;
	[tilespmem:s0+$0x60] =	vst v22  }
0x15d: {  	v10 =	vadd.s32 v2, v7;
	v7 =	vadd.s32 v3, v7;
	s12 =	sor.u32 $0x30, s12;
	v8 =	vand.u32 $0x1C00, v8;
	v17 =	vld.idx.msk [tilespmem:v27+s29+$0x0], $0xffff;
	[tilespmem:s6+$0x17000] =	vst v25  }
0x15e: {  	v34 =	vadd.s32 v3, v21;
	v16 =	vadd.s32 v2, v21;
	v19 =	vand.u32 $0x74, v19;
	s6 =	sadd.s32 $0x6, s11;
	v30 =	vld.idx.msk [tilespmem:v30+s29+$0x0], $0xffff;
	[tilespmem:s12+$0x17000] =	vst v14  }
0x15f: {  	v14 =	vor.u32 v19, v8;
	v19 =	vmov s6;
	v8 =	vadd.s32 v2, v18;
	s6 =	sadd.s32 $0xFFFFFFE0, s9;
	v22 =	vld.idx.msk [tilespmem:v23+s29+$0x0], $0xffff;
	[tilespmem:s0+$0xC0] =	vst v15  }
0x160: {  	v25 =	vadd.s32 v3, v24;
	v26 =	vadd.s32 v2, v14;
	v15 =	vshll.u32 v19, $0x3;
	s6 =	sor.u32 $0x50, s6;
	[tilespmem:s0+$0xFFFFFF20] =	vst v6;
	v6 =	vld.idx.msk [tilespmem:v33+s29+$0x0], $0xffff  }
.Ltmp9:
0x161: {  	v24 =	vadd.s32 v2, v24;
	v14 =	vadd.s32 v3, v14;
	v18 =	vand.u32 $0x76, v19;
	v27 =	vld.idx.msk [tilespmem:v11+s29+$0x0], $0xffff;
	[tilespmem:s6+$0x17000] =	vst v29;
	(pc) =	sbr.rel @p1 .LBB2_11-.Ltmp9, $4  }
0x162: {  	v13 =	vor.u32 v12, v13;
	s6 =	sadd.s32 $0xFFFFFE40, s9;
	v11 =	vand.u32 $0x1C00, v15;
	v15 =	vand.u32 $0x1C00, v28;
	v12 =	vld.idx.msk [tilespmem:v31+s29+$0x0], $0xffff  }
0x163: {  	v23 =	vadd.s32 v2, v13;
	s6 =	sor.u32 $0x30, s6;
	v11 =	vor.u32 v18, v11;
	v9 =	vor.u32 v9, v15;
	v18 =	vld.idx.msk [tilespmem:v20+s29+$0x0], $0xffff  }
0x164: {  	s11 =	sadd.s32 $0xFFFFFF40, s9;
	v19 =	vadd.s32 v3, v13;
	v21 =	vadd.s32 v2, v11;
	v15 =	vadd.s32 v3, v11;
	[tilespmem:s6+$0x17000] =	vst v30;
	s6 =	sadd.s32 $0xFFFFFF00, s9  }
0x165: {  	s11 =	sor.u32 $0x30, s11;
	v20 =	vadd.s32 v2, v9;
	v28 =	vadd.s32 v3, v9;
	s9 =	sadd.s32 $0x200, s9;
	v13 =	vld.idx.msk [tilespmem:v34+s29+$0x0], $0xffff;
	s6 =	sor.u32 $0x70, s6;
	[tilespmem:s0+$0x20] =	vst v32  }
0x166: {  	_ =	sdelay $0x3  }
0x167: {  	v9 =	vld.idx.msk [tilespmem:v14+s29+$0x0], $0xffff  }
0x168: {  	v4 =	vadd.s32 v3, v4;
	[tilespmem:s11+$0x17000] =	vst v17;
	v11 =	vld.idx.msk [tilespmem:v26+s29+$0x0], $0xffff  }
0x169: {  	[tilespmem:s0+$0xFFFFFFE0] =	vst v22;
	v58 =	vld.idx.msk [tilespmem:v16+s29+$0x0], $0xffff  }
0x16a: {  	v59 =	vld.idx.msk [tilespmem:v25+s29+$0x0], $0xffff;
	[tilespmem:s6+$0x17000] =	vst v27  }
0x16b: {  	s22 =	sor.u32 $0x70, s2;
	v10 =	vld.idx.msk [tilespmem:v10+s29+$0x0], $0xffff;
	[tilespmem:s0+$0xE0] =	vst v12  }
0x16c: {  	v62 =	vld.idx.msk [tilespmem:v21+s29+$0x0], $0xffff;
	[tilespmem:s22+$0x17000] =	vst v18  }
0x16d: {  	v4 =	vld.idx.msk [tilespmem:v4+s29+$0x0], $0xffff;
	[tilespmem:s0+$0x80] =	vst v5  }
0x16e: {  	v8 =	vld.idx.msk [tilespmem:v8+s29+$0x0], $0xffff;
	[tilespmem:s0+$0xFFFFFF80] =	vst v11  }
0x16f: {  	v7 =	vld.idx.msk [tilespmem:v7+s29+$0x0], $0xffff;
	[tilespmem:s0+$0xFFFFFF60] =	vst v58  }
0x170: {  	v5 =	vld.idx.msk [tilespmem:v24+s29+$0x0], $0xffff;
	[tilespmem:s0+$0xFFFFFF10] =	vst v59  }
0x171: {  	v63 =	vld.idx.msk [tilespmem:v15+s29+$0x0], $0xffff;
	[tilespmem:s0+$0xFFFFFF40] =	vst v10  }
0x172: {  	[tilespmem:s0+$0xFFFFFFC0] =	vst v62  }
0x173: {  	s23 =	sadd.s32 $0xFFFFFE80, s2;
	[tilespmem:s0+$0xA0] =	vst v8  }
0x174: {  	s8 =	sadd.s32 $0xFFFFFEE0, s2;
	s6 =	sor.u32 $0x70, s23;
	[tilespmem:s0+$0xFFFFFF90] =	vst v9  }
0x175: {  	v61 =	vld.idx.msk [tilespmem:v23+s29+$0x0], $0xffff;
	s8 =	sor.u32 $0x50, s8;
	[tilespmem:s6+$0x17000] =	vst v13  }
0x176: {  	v60 =	vld.idx.msk [tilespmem:v28+s29+$0x0], $0xffff;
	[tilespmem:s8+$0x17000] =	vst v63  }
0x177: {  	s30 =	sadd.s32 $0xFFFFFFC0, s2;
	[tilespmem:s0+$0x90] =	vst v4;
	v4 =	vld.idx.msk [tilespmem:v19+s29+$0x0], $0xffff  }
0x178: {  	s31 =	sor.u32 $0x30, s30;
	[tilespmem:s0+$0xFFFFFF00] =	vst v5;
	v5 =	vld.idx.msk [tilespmem:v20+s29+$0x0], $0xffff  }
0x179: {  	[tilespmem:s31+$0x17000] =	vst v6  }
0x17a: {  	s26 =	sadd.s32 $0xFFFFFF60, s2;
	[tilespmem:s0+$0x40] =	vst v61  }
0x17b: {  	s6 =	sor.u32 $0x50, s26;
	[tilespmem:s0+$0x10] =	vst v60  }
0x17c: {  	s28 =	sadd.s32 $0xFFFFFE60, s2;
	[tilespmem:s6+$0x17000] =	vst v4  }
0x17d: {  	[tilespmem:s0+$0x0] =	vst v5;
	s6 =	sor.u32 $0x50, s28  }
0x17e: {  	[tilespmem:s6+$0x17000] =	vst v7  }
.Ltmp10:
0x17f: {  	s0 =	rddreg [dreg:$0x5];
	(pc) =	sbr.rel .LBB2_13-.Ltmp10, $4  }
0x180: {  	[hbm4b:s0+s3] =	stream.linear.scatter [tilespmem:s24], [sflag:$0x2], $0x4800, $0x38;
	[tilespmem:$0x1F000] =	vst v63  }
0x181: {  	_ =	swait.ge [sflag:s25], $0x4800  }
0x182: {  	[sflag:s25] =	ssyncset.done $0x0  }
0x183: {  	s2 =	rddreg [dreg:$0xa];
	[sflag:s25] =	ssyncadd.s32 $0xFFFFB800  }
.LBB2_14:
0x184: {  	_ =	sfence.sel $0x180000  }
0x185: {  	[bflag:$0x0] =	sbarrier.arrive $0xFFFF  }
0x186: {  	_ =	strace $0x90000047  }
0x187: {  	s0 =	stileid.u32;
	[bflag:$0x2] =	sbarrier.arrive $0xFFFF  }
0x188: {  	p0 =	sne.s32 s0, $0x0;
	s0 =	rddreg [dreg:$0x2]  }
0x189: {  	s0 =	sadd.s32 @!p0 $0x100000, s0  }
0x18a: {  	[sflag:s0] =	ssyncadd.tile.s32 @!p0 $0x1;
	_ =	shalt  }
.Lfunc_end2:
_tile_overlayer_lowered:
.L_overlay_start_2:
0x18b: {  	(tag) =	ssettag $0x2  }
0x18c: {  	s0 =	rddreg [dreg:$0x0];
	s2 =	stileid.u32  }
0x18d: {  	s1 =	rddreg [dreg:$0x1];
	p0 =	sne.s32 s2, $0x0  }
0x18e: {  	s3 =	rddreg [dreg:$0x2];
	[bflag:$0x3] =	sbarrier.arrive $0xFFFF;
	s2 =	simm.s32 @!p0 $0x1C02  }
0x18f: {  	[timem:s3], [sflag:s2] =	dma.local @!p0 [hbm:s0], s1  }
0x190: {  	s0 =	simm.s32 @!p0 $0x2  }
0x191: {  	_ =	swait.ge @!p0 [sflag:s0], s1  }
0x192: {  	s1 =	ssub.s32 @!p0 $0x0, s1;
	[sflag:s0] =	ssyncset.done @!p0 $0x0  }
0x193: {  	[sflag:s0] =	ssyncadd.s32 @!p0 s1  }
0x194: {  	[bflag:$0x3] =	sbarrier.arrive $0xFFFF  }
0x195: {  	_ =	shalt  }

// kernel: kernel.7.cloned.1.call-start
scs
__scs_entry_jumppad:
0x0: {  	(pc) =	sbr.rel $0x88, $3  }
0x1: {  	(tag) =	ssettag $0x0;
	lr =	simm.s32 $0x1  }
0x2: {  	[smem:$0x3F9F] =	sst lr;
	_ =	strace $0xD0000000  }
0x3: {  	_ = 	snop  }
0x4: {  	_ = 	snop  }
0x5: {  	_ = 	snop  }
0x6: {  	_ = 	snop  }
0x7: {  	_ = 	snop  }
__scs_overlays_trampoline_lowered:
0x8: {  	[smem:$0x3FAE] =	sst s0  }
0x9: {  	[smem:$0x3FAF] =	sst s1  }
0xa: {  	[smem:$0x3FB0] =	sst s2  }
0xb: {  	[smem:$0x3FB1] =	sst s3  }
0xc: {  	[smem:$0x3FB2] =	sst s4  }
0xd: {  	[smem:$0x3FB3] =	sst s5  }
0xe: {  	[smem:$0x3FB4] =	sst s6  }
0xf: {  	[smem:$0x3FB5] =	sst s7  }
0x10: {  	[smem:$0x3FB6] =	sst s8  }
0x11: {  	[smem:$0x3FB7] =	sst s9;
	s0 =	simm.s32 @!p0 $0x0  }
0x12: {  	s1 =	sld [smem:$0x3F9D];
	s0 =	simm.s32 @p0 $0x1  }
0x13: {  	[smem:$0x3FB8] =	sst s0;
	s0 =	simm.s32 @!p1 $0x0  }
0x14: {  	s2 =	sld [smem:$0x3F9C];
	s0 =	simm.s32 @p1 $0x1  }
0x15: {  	[smem:$0x3FB9] =	sst s0;
	s0 =	simm.s32 @!p2 $0x0  }
0x16: {  	s3 =	sld [smem:$0x3FDB];
	s0 =	simm.s32 @p2 $0x1  }
0x17: {  	s4 =	simm.s32 $0x1BF5;
	[smem:$0x3FBB] =	sst s0  }
0x18: {  	s0 =	sld [smem:$0x3F9E];
	_ =	swait.ge [sflag:s4], $0x0  }
0x19: {  	s7 =	sld [smem:$0x3F9F]  }
0x1a: {  	s8 =	sadd.s32 $0xFFFFE003, lr  }
0x1b: {  	s9 =	sadd.s32 $0xFFFFFEF7, lr;
	s5 =	simm.s32 $0xFFFFFFFF;
	p2 =	slt.u32 s8, $0xFFFFF086  }
0x1c: {  	p1 =	slt.u32 s9, $0xF7A;
	s5 =	simm.s32 @!p2 $0x0  }
0x1d: {  	s5 =	simm.s32 @p1 $0x1;
	p0 =	seq.s32 s7, s2  }
0x1e: {  	s7 =	smul.u32 @!p0 $0xF7A, s2;
	p2 =	seq.s32 @!p0 s5, $0x0  }
0x1f: {  	s9 =	smul.u32 $0xF7A, s1;
	s8 =	simm.s32 @!p0 $0x1BF5;
	p2 =	por !p2, p0  }
0x20: {  	[sflag:s8] =	ssyncset.s32 @!p0 $0xFFFFF086;
	s6 =	sadd.s32 @!p0 s3, s7;
	s7 =	simm.s32 @!p0 $0x108  }
0x21: {  	s3 =	sadd.s32 s3, s9;
	s6 =	sadd.s32 @!p0 $0x88, s6;
	s7 =	simm.s32 @p2 $0x1082  }
0x22: {  	[simem:s7], [sflag:s8] =	dma.local @!p0 [hbm:s6], $0xF7A  }
0x23: {  	s9 =	sor.u32 $0xD0000000, s2;
	s6 =	simm.s32 $0x108;
	_ =	swait.ge @!p0 [sflag:s8], $0x0  }
0x24: {  	s3 =	sadd.s32 $0x88, s3;
	s6 =	simm.s32 @!p1 $0x1082;
	[sflag:s4] =	ssyncset.s32 $0xFFFFF086  }
0x25: {  	[simem:s6], [sflag:s4] =	dma.local [hbm:s3], $0xF7A  }
0x26: {  	[smem:$0x3F9F] =	sst s1;
	(tag) =	ssettag s2;
	_ =	strace s9  }
0x27: {  	s1 =	sld [smem:$0x3FAF]  }
0x28: {  	s2 =	sld [smem:$0x3FB0]  }
0x29: {  	s4 =	sld [smem:$0x3FB2]  }
0x2a: {  	p0 =	seq.s32 s5, $0x0;
	s5 =	sld [smem:$0x3FB3]  }
0x2b: {  	s6 =	sld [smem:$0x3FB4]  }
0x2c: {  	s7 =	sld [smem:$0x3FB5]  }
0x2d: {  	s3 =	simm.s32 $0x108;
	s8 =	sld [smem:$0x3FB6]  }
0x2e: {  	s3 =	simm.s32 @!p0 $0x1082;
	s9 =	sld [smem:$0x3FB7]  }
0x2f: {  	lr =	sadd.s32 s0, s3;
	s0 =	sld [smem:$0x3FAE]  }
0x30: {  	s3 =	sld [smem:$0x3FB1]  }
0x31: {  	[smem:$0x3FBA] =	sst s10  }
0x32: {  	s10 =	sld [smem:$0x3FB8];
	_ =	sdelay $0x3  }
0x33: {  	p0 =	seq.s32 s10, $0x1;
	s10 =	sld [smem:$0x3FBA];
	_ =	sdelay $0x3  }
0x34: {  	[smem:$0x3FBA] =	sst s10  }
0x35: {  	s10 =	sld [smem:$0x3FB9];
	_ =	sdelay $0x3  }
0x36: {  	p1 =	seq.s32 s10, $0x1;
	s10 =	sld [smem:$0x3FBA];
	_ =	sdelay $0x3  }
0x37: {  	[smem:$0x3FBA] =	sst s10  }
0x38: {  	s10 =	sld [smem:$0x3FBB]  }
0x39: {  	_ = 	snop;
	(pc) =	sbr.ind lr, $3  }
0x3a: {  	_ = 	snop  }
0x3b: {  	_ = 	snop  }
0x3c: {  	p2 =	seq.s32 s10, $0x1;
	s10 =	sld [smem:$0x3FBA]  }
0x3d: {  	_ =	shalt  }
0x3e: {  	_ =	shalt  }
0x3f: {  	_ =	shalt  }
0x40: {  	_ =	shalt  }
0x41: {  	_ =	shalt  }
0x42: {  	_ =	shalt  }
0x43: {  	_ =	shalt  }
0x44: {  	_ =	shalt  }
0x45: {  	_ =	shalt  }
0x46: {  	_ =	shalt  }
0x47: {  	_ =	shalt  }
0x48: {  	_ =	shalt  }
0x49: {  	_ =	shalt  }
0x4a: {  	_ =	shalt  }
0x4b: {  	_ =	shalt  }
0x4c: {  	_ =	shalt  }
0x4d: {  	_ =	shalt  }
0x4e: {  	_ =	shalt  }
0x4f: {  	_ =	shalt  }
0x50: {  	_ =	shalt  }
0x51: {  	_ =	shalt  }
0x52: {  	_ =	shalt  }
0x53: {  	_ =	shalt  }
0x54: {  	_ =	shalt  }
0x55: {  	_ =	shalt  }
0x56: {  	_ =	shalt  }
0x57: {  	_ =	shalt  }
0x58: {  	_ =	shalt  }
0x59: {  	_ =	shalt  }
0x5a: {  	_ =	shalt  }
0x5b: {  	_ =	shalt  }
0x5c: {  	_ =	shalt  }
0x5d: {  	_ =	shalt  }
0x5e: {  	_ =	shalt  }
0x5f: {  	_ =	shalt  }
0x60: {  	_ =	shalt  }
0x61: {  	_ =	shalt  }
0x62: {  	_ =	shalt  }
0x63: {  	_ =	shalt  }
0x64: {  	_ =	shalt  }
0x65: {  	_ =	shalt  }
0x66: {  	_ =	shalt  }
0x67: {  	_ =	shalt  }
0x68: {  	_ =	shalt  }
0x69: {  	_ =	shalt  }
0x6a: {  	_ =	shalt  }
0x6b: {  	_ =	shalt  }
0x6c: {  	_ =	shalt  }
0x6d: {  	_ =	shalt  }
0x6e: {  	_ =	shalt  }
0x6f: {  	_ =	shalt  }
0x70: {  	_ =	shalt  }
0x71: {  	_ =	shalt  }
0x72: {  	_ =	shalt  }
0x73: {  	_ =	shalt  }
0x74: {  	_ =	shalt  }
0x75: {  	_ =	shalt  }
0x76: {  	_ =	shalt  }
0x77: {  	_ =	shalt  }
0x78: {  	_ =	shalt  }
0x79: {  	_ =	shalt  }
0x7a: {  	_ =	shalt  }
0x7b: {  	_ =	shalt  }
0x7c: {  	_ =	shalt  }
0x7d: {  	_ =	shalt  }
0x7e: {  	_ =	shalt  }
0x7f: {  	_ =	shalt  }
0x80: {  	_ =	shalt  }
0x81: {  	_ =	shalt  }
0x82: {  	_ =	shalt  }
0x83: {  	_ =	shalt  }
0x84: {  	_ =	shalt  }
0x85: {  	_ =	shalt  }
0x86: {  	_ =	shalt  }
0x87: {  	_ =	shalt  }
.Lfunc_end0:
.L_simem_size_0:
called_computation.2_lowered:
.L_overlay_start_0:
0x88: {  	s2 =	sld [smem:$0x3FD9]  }
0x89: {  	s3 =	sld [smem:$0x3FFE];
	_ =	sdelay $0x1  }
0x8a: {  	s1 =	srdreg.scid  }
0x8b: {  	s0 =	sand.u32 $0x1, s1  }
0x8c: {  	s17 =	sshll.u32 s0, $0xA;
	s2 =	sadd.s32 s3, s2  }
0x8d: {  	s2 =	sadd.s32 s2, s17  }
0x8e: {  	[smem:$0x3FC6] =	sst s2  }
0x8f: {  	_ = 	snop  }
0x90: {  	s2 =	sld [smem:$0x3FD0];
	(tm) =	ssettm $0x1  }
0x91: {  	s18 =	sld [smem:$0x3FFB];
	_ =	sdelay $0x3  }
0x92: {  	_ =	strace s18  }
0x93: {  	s3 =	sld [smem:$0x3FFC];
	_ =	sdelay $0x3  }
0x94: {  	_ =	strace s3  }
0x95: {  	s3 =	sld [smem:$0x3FFD];
	_ =	sdelay $0x3  }
0x96: {  	_ =	strace s3  }
0x97: {  	_ =	strace $0x8FFFFFFF  }
0x98: {  	s19 =	sld [smem:$0x3FDB];
	_ =	sdelay $0x1  }
0x99: {  	s4 =	simm.s32 $_scs_section_size  }
0x9a: {  	s5 =	simm.s32 $_size__tile_overlayer_lowered;
	s6 =	simm.s32 $_tile_overlayer_lowered  }
0x9b: {  	s22 =	simm.s32 $0x1BFF;
	s21 =	sshll.u32 s6, $0x1;
	s3 =	sadd.s32 s4, s19  }
0x9c: {  	s7 =	simm.s32 $0x0;
	s20 =	sshll.u32 s5, $0x1;
	s5 =	sadd.s32 s21, s3  }
0x9d: {  	[timem:s7], [sflag:s22] =	dma.local [hbm:s5], s20  }
0x9e: {  	_ =	swait.ge [sflag:s22], s20  }
0x9f: {  	s4 =	ssub.s32 $0x0, s20;
	[sflag:s22] =	ssyncset.done $0x0  }
0xa0: {  	[sflag:s22] =	ssyncadd.s32 s4;
	_ =	sdelay $0x1  }
0xa1: {  	s23 =	simm.s32 $0x1B8B  }
0xa2: {  	_ =	swait.ge [sflag:s23], $0x1  }
0xa3: {  	[sflag:s23] =	ssyncset.done $0x0  }
0xa4: {  	s25 =	simm.s32 $0x1B8E;
	s24 =	sld [smem:$0x3FFE];
	[sflag:s23] =	ssyncadd.s32 $0xFFFFFFFF  }
0xa5: {  	s26 =	simm.s32 $execute0_lowered;
	[smem:$0x3FD2] =	sst s25  }
0xa6: {  	s5 =	sshll.u32 s26, $0x1;
	_ =	strace $0x80000049;
	[dreg:$0x1] =	wrdreg $0xFFFFFFFF  }
0xa7: {  	s28 =	simm.s32 $_size_execute0_lowered;
	s3 =	sadd.s32 s3, s5;
	[dreg:$0x0] =	wrdreg $0x0  }
0xa8: {  	s5 =	sshll.u32 s28, $0x1;
	[dreg:$0x2] =	wrdreg s3  }
0xa9: {  	[dreg:$0x3] =	wrdreg s5  }
0xaa: {  	[dreg:$0x4] =	wrdreg $0xC0  }
0xab: {  	_ =	task [dreg:s7], $0x5FFFF  }
0xac: {  	[dreg:$0x1] =	wrdreg $0xFFFFFFFF  }
0xad: {  	[dreg:$0x0] =	wrdreg $0x60  }
0xae: {  	[dreg:$0x2] =	wrdreg s24  }
0xaf: {  	[dreg:$0x3] =	wrdreg s2  }
0xb0: {  	[dreg:$0x4] =	wrdreg $0x9  }
0xb1: {  	_ =	task.clear_ibuf [dreg:s7], $0x5FFFF;
	_ =	strace $0x90000049  }
0xb2: {  	s29 =	simm.s32 $0x9;
	_ =	strace $0x8000004B  }
0xb3: {  	_ =	swait.ge [sflag:s29], $0x1  }
0xb4: {  	[sflag:s29] =	ssyncadd.s32 $0xFFFFFFFF  }
0xb5: {  	_ =	strace $0x9000004B  }
0xb6: {  	_ =	sfence  }
0xb7: {  	s30 =	sld [smem:$0x0];
	_ =	sdelay $0x2  }
0xb8: {  	s31 =	sshll.u32 s1, $0xD;
	s1 =	sshrl.u32 s1, $0x2  }
0xb9: {  	s3 =	sand.u32 $0x4000, s31;
	s1 =	sadd.s32 s1, s30  }
0xba: {  	s0 =	sor.u32 s3, s0;
	s1 =	sshll.u32 s1, $0x11  }
0xbb: {  	s0 =	sor.u32 s1, s0  }
0xbc: {  	s0 =	sadd.s32 $0x8F2B, s0  }
0xbd: {  	[sflag:s0] =	ssyncadd.remote.s32 $0x1  }
0xbe: {  	_ =	sfence.sel $0xFFFF  }
0xbf: {  	[dreg:$0x0] =	wrdreg $0xFFFFFFFF;
	(pc) =	sbr.abs _section_cstart, $3  }
0xc0: {  	[dreg:$0x1] =	wrdreg $0xFFFFFFFF  }
0xc1: {  	_ =	task.clear_ibuf [dreg:s7], $0x2FFFF;
	_ =	strace $0x9FFFFFFF  }
0xc2: {  	(tm) =	ssettm $0x7FFFFFFF  }
0xc3: {  	_ =	shalt  }
tec
execute0_lowered:
.L_overlay_start_1:
0x0: {  	(tag) =	ssettag $0x1  }
0x1: {  	s1 =	srdreg.scid  }
0x2: {  	s0 =	stileid.u32;
	s3 =	rddreg [dreg:$0x0]  }
0x3: {  	s9 =	rddreg [dreg:$0x1];
	s2 =	simm.s32 $0x0;
	s12 =	simm.s32 $0x3400  }
0x4: {  	s13 =	simm.s32 $0x1;
	s14 =	simm.s32 $0x4400;
	s15 =	simm.s32 $0x3380  }
0x5: {  	s16 =	simm.s32 $0x0;
	s4 =	sand.u32 $0x1, s1;
	s1 =	rddreg [dreg:$0x2]  }
0x6: {  	s29 =	sshll.u32 s0, $0x1;
	[smem:$0x7FF] =	sst s2;
	s8 =	smul.u32 $0xD0000, s0  }
0x7: {  	s5 =	sor.u32 s4, s29;
	s7 =	ssub.s32 $0x2, s4;
	s11 =	smul.u32 $0x68000, s4  }
0x8: {  	_ =	strace $0x8000004A;
	s6 =	smul.u32 $0x680, s5;
	s10 =	sshrl.u32 s7, $0x1  }
0x9: {  	s5 =	smul.u32 $0x68000, s5;
	s7 =	ssub.s32 s7, s10;
	s8 =	sadd.s32 s11, s8  }
0xa: {  	s10 =	simm.s32 $0x2;
	s6 =	sadd.s32 s6, s3;
	s3 =	sadd.s32 $0xE00, s3  }
0xb: {  	s5 =	sshrl.u32 s5, $0x3;
	s11 =	sor.u32 $0x1000, s8;
	s8 =	sshrl.u32 s8, $0x3  }
0xc: {  	s4 =	sadd.s32 $0x5D1800, s6;
	s30 =	sadd.s32 s9, s5;
	s5 =	smax.u32 s7, $0x1  }
0xd: {  	s31 =	sshrl.u32 s11, $0x3;
	s8 =	sadd.s32 s8, s9;
	s11 =	simm.s32 $0x80  }
0xe: {  	s6 =	sadd.s32 $0xCC00, s30;
	s7 =	sadd.s32 $0xCE00, s30;
	s9 =	sadd.s32 s31, s9  }
.LBB2_1:
0xf: {  	[tilespmem:s2], [sflag:$0x2] =	stream.linear.gather [hbm4b:s4+s2], $0x3400, $0x38;
	[tilespmem:$0x5400] =	vst v63  }
0x10: {  	_ =	swait.ge [sflag:s10], $0x3400  }
0x11: {  	[sflag:s10] =	ssyncset.done $0x0  }
0x12: {  	[sflag:s10] =	ssyncadd.s32 $0xFFFFCC00  }
0x13: {  	[tilespmem:s12], [sflag:$0x1] =	stream.indirect.gather [hbm4b:s3+s11], $0x20, s2, s11, $0xb8;
	[tilespmem:$0x5400] =	vst v63  }
0x14: {  	_ =	swait.ge [sflag:s13], $0x1000  }
0x15: {  	[sflag:s13] =	ssyncset.done $0x0  }
0x16: {  	s17 =	simm.s32 $0x80;
	[sflag:s13] =	ssyncadd.s32 $0xFFFFF000  }
0x17: {  	[tilespmem:s14], [sflag:$0x1] =	stream.indirect.gather [hbm4b:s3+s11], $0x20, s17, s11, $0xb8;
	[tilespmem:$0x5400] =	vst v63  }
0x18: {  	s29 =	sadd.s32 $0x0, s8  }
0x19: {  	[hbm4b:s29+s2] =	stream.linear.scatter [tilespmem:s12], [sflag:$0x2], $0x1000, $0x38;
	[tilespmem:$0x5400] =	vst v63  }
0x1a: {  	_ =	swait.ge [sflag:s10], $0x1000  }
0x1b: {  	[sflag:s10] =	ssyncset.done $0x0  }
0x1c: {  	[sflag:s10] =	ssyncadd.s32 $0xFFFFF000  }
0x1d: {  	_ =	swait.ge [sflag:s13], $0x1000  }
0x1e: {  	[sflag:s13] =	ssyncset.done $0x0  }
0x1f: {  	s30 =	simm.s32 $0x100;
	[sflag:s13] =	ssyncadd.s32 $0xFFFFF000  }
0x20: {  	[tilespmem:s12], [sflag:$0x1] =	stream.indirect.gather [hbm4b:s3+s11], $0x20, s30, s11, $0xb8;
	[tilespmem:$0x5400] =	vst v63  }
0x21: {  	s31 =	sadd.s32 $0x0, s9  }
0x22: {  	[hbm4b:s31+s2] =	stream.linear.scatter [tilespmem:s14], [sflag:$0x2], $0x1000, $0x38;
	[tilespmem:$0x5400] =	vst v63  }
0x23: {  	_ =	swait.ge [sflag:s10], $0x1000  }
0x24: {  	[sflag:s10] =	ssyncset.done $0x0  }
0x25: {  	[sflag:s10] =	ssyncadd.s32 $0xFFFFF000  }
0x26: {  	s19 =	simm.s32 $0x800;
	_ =	swait.ge [sflag:s13], $0x1000  }
0x27: {  	s18 =	simm.s32 $0x100;
	s17 =	simm.s32 $0x400;
	[sflag:s13] =	ssyncset.done $0x0  }
.LBB2_2:
0x28: {  	s20 =	sadd.s32 $0x80, s18  }
0x29: {  	[sflag:s13] =	ssyncadd.s32 $0xFFFFF000;
	s21 =	smov.u32 s19;
	s22 =	sadd.s32 $0x400, s19  }
0x2a: {  	[tilespmem:s14], [sflag:$0x1] =	stream.indirect.gather [hbm4b:s3+s11], $0x20, s20, s11, $0xb8;
	[tilespmem:$0x5400] =	vst v63  }
0x2b: {  	p0 =	sne.s32 s19, $0xC800;
	s19 =	sadd.s32 s17, s8  }
0x2c: {  	[hbm4b:s19+s2] =	stream.linear.scatter [tilespmem:s12], [sflag:$0x2], $0x1000, $0x38;
	[tilespmem:$0x5400] =	vst v63  }
0x2d: {  	_ =	swait.ge [sflag:s10], $0x1000  }
0x2e: {  	[sflag:s10] =	ssyncset.done $0x0  }
0x2f: {  	[sflag:s10] =	ssyncadd.s32 $0xFFFFF000  }
0x30: {  	_ =	swait.ge [sflag:s13], $0x1000  }
0x31: {  	[sflag:s13] =	ssyncset.done $0x0  }
0x32: {  	s18 =	sadd.s32 $0x100, s18;
	[sflag:s13] =	ssyncadd.s32 $0xFFFFF000  }
0x33: {  	[tilespmem:s12], [sflag:$0x1] =	stream.indirect.gather [hbm4b:s3+s11], $0x20, s18, s11, $0xb8;
	[tilespmem:$0x5400] =	vst v63  }
0x34: {  	s18 =	sadd.s32 s17, s9;
	s17 =	smov.u32 s21  }
0x35: {  	[hbm4b:s18+s2] =	stream.linear.scatter [tilespmem:s14], [sflag:$0x2], $0x1000, $0x38;
	[tilespmem:$0x5400] =	vst v63  }
.Ltmp0:
0x36: {  	_ =	swait.ge [sflag:s10], $0x1000;
	(pc) =	sbr.rel @p0 .LBB2_2-.Ltmp0, $4  }
0x37: {  	[sflag:s10] =	ssyncset.done $0x0  }
0x38: {  	[sflag:s10] =	ssyncadd.s32 $0xFFFFF000  }
0x39: {  	_ =	swait.ge [sflag:s13], $0x1000  }
0x3a: {  	s19 =	smov.u32 s22;
	s18 =	sshra.s32 s17, $0x2;
	[sflag:s13] =	ssyncset.done $0x0  }
0x3b: {  	s19 =	sadd.s32 $0x80, s18;
	[sflag:s13] =	ssyncadd.s32 $0xFFFFF000  }
0x3c: {  	[tilespmem:s14], [sflag:$0x1] =	stream.indirect.gather [hbm4b:s3+s11], $0x20, s19, s11, $0xb8;
	[tilespmem:$0x5400] =	vst v63  }
0x3d: {  	s29 =	sadd.s32 s17, s8  }
0x3e: {  	[hbm4b:s29+s2] =	stream.linear.scatter [tilespmem:s12], [sflag:$0x2], $0x1000, $0x38;
	[tilespmem:$0x5400] =	vst v63  }
0x3f: {  	_ =	swait.ge [sflag:s10], $0x1000  }
0x40: {  	[sflag:s10] =	ssyncset.done $0x0  }
0x41: {  	[sflag:s10] =	ssyncadd.s32 $0xFFFFF000  }
0x42: {  	_ =	swait.ge [sflag:s13], $0x1000  }
0x43: {  	[sflag:s13] =	ssyncset.done $0x0  }
0x44: {  	s30 =	sadd.s32 $0x100, s18;
	[sflag:s13] =	ssyncadd.s32 $0xFFFFF000  }
0x45: {  	[tilespmem:s12], [sflag:$0x1] =	stream.indirect.gather [hbm4b:s3+s11], $0x20, s30, s11, $0xb8;
	[tilespmem:$0x5400] =	vst v63  }
0x46: {  	s31 =	sadd.s32 s17, s9  }
0x47: {  	[hbm4b:s31+s2] =	stream.linear.scatter [tilespmem:s14], [sflag:$0x2], $0x1000, $0x38;
	[tilespmem:$0x5400] =	vst v63  }
0x48: {  	_ =	swait.ge [sflag:s10], $0x1000  }
0x49: {  	[sflag:s10] =	ssyncset.done $0x0  }
0x4a: {  	[sflag:s10] =	ssyncadd.s32 $0xFFFFF000  }
0x4b: {  	_ =	swait.ge [sflag:s13], $0x1000  }
0x4c: {  	[sflag:s13] =	ssyncset.done $0x0  }
0x4d: {  	[sflag:s13] =	ssyncadd.s32 $0xFFFFF000  }
0x4e: {  	[tilespmem:s14], [sflag:$0x1] =	stream.indirect.gather [hbm4b:s3+s11], $0x20, s15, s11, $0xb8;
	[tilespmem:$0x5400] =	vst v63  }
0x4f: {  	_ = 	snop  }
0x50: {  	[hbm4b:s6+s2] =	stream.linear.scatter [tilespmem:s12], [sflag:$0x2], $0x1000, $0x38;
	[tilespmem:$0x5400] =	vst v63  }
0x51: {  	_ =	swait.ge [sflag:s10], $0x1000  }
0x52: {  	[sflag:s10] =	ssyncset.done $0x0  }
0x53: {  	[sflag:s10] =	ssyncadd.s32 $0xFFFFF000  }
0x54: {  	_ =	swait.ge [sflag:s13], $0x1000  }
0x55: {  	[sflag:s13] =	ssyncset.done $0x0  }
0x56: {  	[sflag:s13] =	ssyncadd.s32 $0xFFFFF000  }
0x57: {  	[tilespmem:s12], [sflag:$0x1] =	stream.indirect.gather [hbm4b:s3+s11], $0x20, s2, s11, $0xb8;
	[tilespmem:$0x5400] =	vst v63  }
0x58: {  	s16 =	sadd.s32 $0x1, s16  }
0x59: {  	[hbm4b:s7+s2] =	stream.linear.scatter [tilespmem:s14], [sflag:$0x2], $0x1000, $0x38;
	[tilespmem:$0x5400] =	vst v63  }
0x5a: {  	p0 =	sne.s32 s16, s5;
	_ =	swait.ge [sflag:s10], $0x1000  }
.Ltmp1:
0x5b: {  	[sflag:s10] =	ssyncset.done $0x0;
	(pc) =	sbr.rel @p0 .LBB2_1-.Ltmp1, $4  }
0x5c: {  	[sflag:s10] =	ssyncadd.s32 $0xFFFFF000  }
0x5d: {  	_ =	swait.ge [sflag:s13], $0x1000  }
0x5e: {  	[sflag:s13] =	ssyncset.done $0x0  }
0x5f: {  	[sflag:s13] =	ssyncadd.s32 $0xFFFFF000  }
0x60: {  	_ =	sfence.sel $0x180000  }
0x61: {  	[bflag:$0x0] =	sbarrier.arrive $0xFFFF  }
0x62: {  	p0 =	sne.s32 s0, $0x0;
	_ =	strace $0x9000004A  }
0x63: {  	s0 =	sadd.s32 @!p0 $0x100000, s1;
	[bflag:$0x2] =	sbarrier.arrive $0xFFFF  }
0x64: {  	[sflag:s0] =	ssyncadd.tile.s32 @!p0 $0x1;
	_ =	shalt  }
.Lfunc_end2:
_tile_overlayer_lowered:
.L_overlay_start_2:
0x65: {  	(tag) =	ssettag $0x2  }
0x66: {  	s0 =	rddreg [dreg:$0x0];
	s2 =	stileid.u32  }
0x67: {  	s1 =	rddreg [dreg:$0x1];
	p0 =	sne.s32 s2, $0x0  }
0x68: {  	s3 =	rddreg [dreg:$0x2];
	[bflag:$0x3] =	sbarrier.arrive $0xFFFF;
	s2 =	simm.s32 @!p0 $0x1C02  }
0x69: {  	[timem:s3], [sflag:s2] =	dma.local @!p0 [hbm:s0], s1  }
0x6a: {  	s0 =	simm.s32 @!p0 $0x2  }
0x6b: {  	_ =	swait.ge @!p0 [sflag:s0], s1  }
0x6c: {  	s1 =	ssub.s32 @!p0 $0x0, s1;
	[sflag:s0] =	ssyncset.done @!p0 $0x0  }
0x6d: {  	[sflag:s0] =	ssyncadd.s32 @!p0 s1  }
0x6e: {  	[bflag:$0x3] =	sbarrier.arrive $0xFFFF  }
0x6f: {  	_ =	shalt  }

// kernel: sparse-core-data-format-call.cloned.1.call-start
scs
called_computation_lowered:
.L_overlay_start_0:
0x0: {  	s2 =	sld [smem:$0x3FD9]  }
0x1: {  	s3 =	sld [smem:$0x3FFE];
	_ =	sdelay $0x1  }
0x2: {  	s1 =	srdreg.scid  }
0x3: {  	s0 =	sand.u32 $0x1, s1  }
0x4: {  	s18 =	sshll.u32 s0, $0xA;
	s2 =	sadd.s32 s3, s2  }
0x5: {  	s2 =	sadd.s32 s2, s18  }
0x6: {  	[smem:$0x3FC6] =	sst s2  }
0x7: {  	_ = 	snop  }
0x8: {  	s2 =	sld [smem:$0x3FD0];
	(tm) =	ssettm $0x1  }
0x9: {  	s19 =	sld [smem:$0x3FFB];
	_ =	sdelay $0x3  }
0xa: {  	_ =	strace s19  }
0xb: {  	s3 =	sld [smem:$0x3FFC];
	_ =	sdelay $0x3  }
0xc: {  	_ =	strace s3  }
0xd: {  	s3 =	sld [smem:$0x3FFD];
	_ =	sdelay $0x3  }
0xe: {  	_ =	strace s3  }
0xf: {  	_ =	strace $0x8FFFFFFF  }
0x10: {  	s20 =	sld [smem:$0x3FDB];
	_ =	sdelay $0x1  }
0x11: {  	s4 =	simm.s32 $_scs_section_size  }
0x12: {  	s5 =	simm.s32 $_size__tile_overlayer_lowered;
	s6 =	simm.s32 $_tile_overlayer_lowered  }
0x13: {  	s23 =	simm.s32 $0x1BFF;
	s22 =	sshll.u32 s6, $0x1;
	s3 =	sadd.s32 s4, s20  }
0x14: {  	s7 =	simm.s32 $0x0;
	s21 =	sshll.u32 s5, $0x1;
	s5 =	sadd.s32 s22, s3  }
0x15: {  	[timem:s7], [sflag:s23] =	dma.local [hbm:s5], s21  }
0x16: {  	_ =	swait.ge [sflag:s23], s21  }
0x17: {  	s4 =	ssub.s32 $0x0, s21;
	[sflag:s23] =	ssyncset.done $0x0  }
0x18: {  	[sflag:s23] =	ssyncadd.s32 s4;
	_ =	sdelay $0x1  }
0x19: {  	s24 =	simm.s32 $0x1B8B  }
0x1a: {  	_ =	swait.ge [sflag:s24], $0x1  }
0x1b: {  	[sflag:s24] =	ssyncset.done $0x0  }
0x1c: {  	s26 =	simm.s32 $0x1B8E;
	s25 =	sld [smem:$0x3FFE];
	[sflag:s24] =	ssyncadd.s32 $0xFFFFFFFF  }
0x1d: {  	s27 =	simm.s32 $execute0_lowered;
	[smem:$0x3FD2] =	sst s26  }
0x1e: {  	s5 =	sshll.u32 s27, $0x1;
	_ =	strace $0x8000004C;
	[dreg:$0x1] =	wrdreg $0xFFFFFFFF  }
0x1f: {  	s28 =	simm.s32 $_size_execute0_lowered;
	s3 =	sadd.s32 s3, s5;
	[dreg:$0x0] =	wrdreg $0x0  }
0x20: {  	s5 =	sshll.u32 s28, $0x1;
	[dreg:$0x2] =	wrdreg s3  }
0x21: {  	[dreg:$0x3] =	wrdreg s5  }
0x22: {  	[dreg:$0x4] =	wrdreg $0xC0  }
0x23: {  	_ =	task [dreg:s7], $0x5FFFF  }
0x24: {  	[dreg:$0x1] =	wrdreg $0xFFFFFFFF  }
0x25: {  	[dreg:$0x0] =	wrdreg $0x60  }
0x26: {  	[dreg:$0x2] =	wrdreg s25  }
0x27: {  	[dreg:$0x3] =	wrdreg s2  }
0x28: {  	[dreg:$0x4] =	wrdreg $0x9  }
0x29: {  	_ =	task.clear_ibuf [dreg:s7], $0x5FFFF;
	_ =	strace $0x9000004C  }
0x2a: {  	s29 =	simm.s32 $0x9;
	_ =	strace $0x8000004E  }
0x2b: {  	_ =	swait.ge [sflag:s29], $0x1  }
0x2c: {  	[sflag:s29] =	ssyncadd.s32 $0xFFFFFFFF  }
0x2d: {  	_ =	strace $0x9000004E  }
0x2e: {  	_ =	sfence  }
0x2f: {  	s30 =	sld [smem:$0x0];
	_ =	sdelay $0x2  }
0x30: {  	s31 =	sshll.u32 s1, $0xD;
	s1 =	sshrl.u32 s1, $0x2  }
0x31: {  	s3 =	sand.u32 $0x4000, s31;
	s1 =	sadd.s32 s1, s30  }
0x32: {  	s0 =	sor.u32 s3, s0;
	s1 =	sshll.u32 s1, $0x11  }
0x33: {  	s0 =	sor.u32 s1, s0  }
0x34: {  	s0 =	sadd.s32 $0x8F2B, s0  }
0x35: {  	[sflag:s0] =	ssyncadd.remote.s32 $0x1  }
0x36: {  	_ =	sfence.sel $0xFFFF  }
0x37: {  	[dreg:$0x0] =	wrdreg $0xFFFFFFFF;
	(pc) =	sbr.abs _section_cstart, $3  }
0x38: {  	[dreg:$0x1] =	wrdreg $0xFFFFFFFF  }
0x39: {  	_ =	task.clear_ibuf [dreg:s7], $0x2FFFF;
	_ =	strace $0x9FFFFFFF  }
0x3a: {  	(tm) =	ssettm $0x7FFFFFFF  }
0x3b: {  	_ =	shalt  }
tec
execute0_lowered:
.L_overlay_start_1:
0x0: {  	(tag) =	ssettag $0x1  }
0x1: {  	s0 =	srdreg.scid  }
0x2: {  	s1 =	sshll.u32 s0, $0x4  }
0x3: {  	s6 =	rddreg [dreg:$0x0];
	s0 =	stileid.u32;
	s1 =	sand.u32 $0x10, s1  }
0x4: {  	s3 =	rddreg [dreg:$0x1];
	s1 =	sor.u32 s0, s1  }
0x5: {  	s5 =	simm.s32 $0x1;
	s31 =	simm.s32 $0x2;
	s2 =	sshll.u32 s1, $0x7  }
0x6: {  	s13 =	simm.s32 $0x0;
	s8 =	simm.s32 $0x8000;
	s4 =	ssub.s32 $0x1000, s2  }
0x7: {  	s15 =	simm.s32 $0x0;
	s14 =	simm.s32 $0x0;
	s30 =	sand.u32 $0xF80, s4  }
0x8: {  	s9 =	simm.s32 $0x0;
	s10 =	simm.s32 $0x0;
	p0 =	sne.s32 s30, $0x0  }
.Ltmp0:
0x9: {  	s7 =	sshrl.u32 s4, $0xC;
	s5 =	simm.s32 @!p0 $0x0;
	(pc) =	sbr.rel .LBB1_1-.Ltmp0, $4  }
0xa: {  	s12 =	simm.s32 $0x0;
	s1 =	rddreg [dreg:$0x2];
	s5 =	sadd.s32 s5, s7  }
0xb: {  	_ =	strace $0x8000004D;
	s4 =	simm.s32 $0x1;
	s5 =	smul.u32 $0x68, s5  }
0xc: {  	s6 =	sadd.s32 $0xE00, s6;
	s11 =	smov.u32 s2;
	[sflag:s4] =	ssyncpa.u1 $0x0  }
0xd: {  	[sflag:s31] =	ssyncpa.u1 $0x0;
	p0 =	por $0x0, $0x0;
	s7 =	sor.u32 $0x1, s5  }
.LBB1_4:
0xe: {  	s18 =	sshll.u32 s14, $0x3  }
0xf: {  	s19 =	sand.u32 $0x78, s14;
	s20 =	sand.u32 $0x3E00, s14;
	s15 =	sshll.u32 s15, $0x10  }
0x10: {  	s13 =	sshll.u32 s13, $0xE;
	s18 =	sand.u32 $0xC00, s18;
	s30 =	sadd.s32 s3, s20  }
0x11: {  	s31 =	sand.u32 $0x7, s14;
	s18 =	sor.u32 s19, s18;
	s15 =	sadd.s32 s15, s30  }
0x12: {  	s14 =	sshll.u32 s31, $0x12;
	s18 =	sshrl.u32 s18, $0x3;
	s13 =	sadd.s32 s13, s15  }
0x13: {  	[tilespmem:s17+$0x0 ss:$0x81] =	vst.msk $0xffff, v0;
	s14 =	sor.u32 $0x400, s14;
	s13 =	sadd.s32 s18, s13  }
0x14: {  	[hbm4b:s13+s14] =	stream.strided.scatter [tilespmem:s16], [sflag:$0x2], $0x1000, s8, s14, $0x20;
	[tilespmem:$0x4040] =	vst v63  }
.LBB1_5:
0x15: {  	s16 =	sadd.s32 $0x1, s9  }
0x16: {  	s13 =	simm.s32 $0x1;
	p2 =	sgt.s32 s16, $0x3  }
0x17: {  	s13 =	simm.s32 @!p2 $0x0  }
0x18: {  	s17 =	sadd.s32 s13, s10  }
0x19: {  	s19 =	smov.u32 s11;
	s13 =	sadd.s32 $0x1000, s11;
	p3 =	sgt.s32 s17, $0x19  }
0x1a: {  	s19 =	smov.u32 @p3 s13  }
0x1b: {  	p1 =	slt.u32 s12, $0x2;
	s16 =	simm.s32 @p2 $0x0;
	p2 =	sgt.s32 s19, $0xFFF  }
0x1c: {  	s18 =	simm.s32 @!p1 $0x2;
	s19 =	smov.u32 @p2 s2;
	p2 =	sne.s32 s12, s7  }
.Ltmp1:
0x1d: {  	_ =	swait.ge @!p1 [sflag:s18], $0x1000;
	(pc) =	sbr.rel @!p2 .LBB1_6-.Ltmp1, $4  }
0x1e: {  	s15 =	smov.u32 s10;
	[sflag:s18] =	ssyncset.done @!p1 $0x0  }
0x1f: {  	s14 =	smov.u32 s11;
	p0 =	por !p0, !p0;
	[sflag:s18] =	ssyncadd.s32 @!p1 $0xFFFFF000  }
0x20: {  	s17 =	simm.s32 @p3 $0x0;
	s13 =	smov.u32 s9;
	s9 =	smov.u32 s16  }
0x21: {  	s10 =	smov.u32 s17;
	s12 =	sadd.s32 $0x1, s12;
	s11 =	smov.u32 s19  }
.LBB1_1:
0x22: {  	p1 =	sge.u32 s12, s5  }
0x23: {  	s17 =	smul.u32 @!p1 $0x680, s11  }
0x24: {  	s31 =	sadd.s32 $0xFFFFFFFF, s12;
	s16 =	sxor.u32 @!p1 $0xFFFFFFFF, s12;
	s18 =	sshll.u32 @!p1 s10, $0x6  }
0x25: {  	s19 =	sshll.u32 @!p1 s9, $0x4;
	s16 =	sshll.u32 @!p1 s16, $0xC;
	s17 =	sadd.s32 @!p1 s6, s17  }
0x26: {  	s19 =	sand.u32 @!p1 $0x30, s19;
	s16 =	sand.u32 @!p1 $0x1000, s16;
	s17 =	sadd.s32 @!p1 s18, s17  }
0x27: {  	s18 =	simm.s32 @!p1 $0x20;
	s17 =	sadd.s32 @!p1 s19, s17;
	s19 =	simm.s32 @!p1 $0x3400  }
0x28: {  	[tilespmem:s16], [sflag:$0x1] =	stream.strided.gather @!p1 [hbm4b:s17+s18], $0x1000, s19, s18, $0x38;
	[tilespmem:$0x4040] =	vst v63  }
0x29: {  	p1 =	sge.u32 s31, s5  }
.Ltmp2:
0x2a: {  	_ = 	snop;
	(pc) =	sbr.rel @p1 .LBB1_5-.Ltmp2, $1  }
0x2b: {  	_ =	sdelay $0x3  }
0x2c: {  	s16 =	simm.s32 $0x1  }
0x2d: {  	_ =	swait.ge [sflag:s4], $0x1000;
	s16 =	simm.s32 @!p0 $0x0  }
0x2e: {  	[sflag:s4] =	ssyncset.done $0x0;
	s17 =	sshll.u32 s16, $0xC  }
0x2f: {  	[sflag:s4] =	ssyncadd.s32 $0xFFFFF000;
	s20 =	sor.u32 $0x10, s17  }
0x30: {  	s16 =	smul.u32 $0x4080, s16;
	v1 =	vld [tilespmem:s20+$0x0]  }
0x31: {  	s30 =	sand.u32 $0x1, s12;
	v0 =	vld [tilespmem:s20+$0xFFFFFFF0]  }
0x32: {  	s17 =	smul.u32 $0x4080, s30;
	s16 =	sshrl.u32 s16, $0x2  }
0x33: {  	s18 =	sor.u32 $0x2000, s16  }
0x34: {  	s31 =	sshrl.u32 s17, $0x2;
	s17 =	sadd.s32 $0x0, s18  }
0x35: {  	s19 =	simm.s32 $0x4;
	s20 =	sadd.s32 $0x20, s20;
	s16 =	sor.u32 $0x2000, s31;
	[tilespmem:s17+$0x810 ss:$0x81] =	vst.msk $0xffff, v1  }
.LBB1_3:
0x36: {  	v1 =	vld [tilespmem:s20+$0x0];
	p1 =	sne.s32 s19, $0x1FC;
	[tilespmem:s17+$0x0 ss:$0x81] =	vst.msk $0xffff, v0;
	s17 =	smov.u32 s19;
	s19 =	sadd.s32 $0x4, s19  }
.Ltmp3:
0x37: {  	v0 =	vld [tilespmem:s20+$0xFFFFFFF0];
	(pc) =	sbr.rel @p1 .LBB1_3-.Ltmp3, $4  }
0x38: {  	_ = 	snop  }
0x39: {  	s17 =	sshra.s32 s17, $0x2  }
0x3a: {  	s17 =	sadd.s32 s17, s18  }
0x3b: {  	s20 =	sadd.s32 $0x20, s20;
	[tilespmem:s17+$0x810 ss:$0x81] =	vst.msk $0xffff, v1  }
.Ltmp4:
0x3c: {  	_ = 	snop;
	(pc) =	sbr.rel .LBB1_4-.Ltmp4, $1  }
0x3d: {  	_ =	sdelay $0x3  }
.LBB1_6:
0x3e: {  	_ =	sfence.sel $0x180000  }
0x3f: {  	s2 =	simm.s32 $0x1;
	[bflag:$0x0] =	sbarrier.arrive $0xFFFF  }
0x40: {  	s31 =	simm.s32 $0x2;
	[sflag:s2] =	ssyncpa.u1 $0x1  }
0x41: {  	[sflag:s31] =	ssyncpa.u1 $0x1  }
0x42: {  	p0 =	sne.s32 s0, $0x0;
	_ =	strace $0x9000004D  }
0x43: {  	s0 =	sadd.s32 @!p0 $0x100000, s1;
	[bflag:$0x2] =	sbarrier.arrive $0xFFFF  }
0x44: {  	[sflag:s0] =	ssyncadd.tile.s32 @!p0 $0x1;
	_ =	shalt  }
.Lfunc_end1:
_tile_overlayer_lowered:
.L_overlay_start_2:
0x45: {  	(tag) =	ssettag $0x2  }
0x46: {  	s0 =	rddreg [dreg:$0x0];
	s2 =	stileid.u32  }
0x47: {  	s1 =	rddreg [dreg:$0x1];
	p0 =	sne.s32 s2, $0x0  }
0x48: {  	s3 =	rddreg [dreg:$0x2];
	[bflag:$0x3] =	sbarrier.arrive $0xFFFF;
	s2 =	simm.s32 @!p0 $0x1C01  }
0x49: {  	[timem:s3], [sflag:s2] =	dma.local @!p0 [hbm:s0], s1  }
0x4a: {  	s0 =	simm.s32 @!p0 $0x1  }
0x4b: {  	_ =	swait.ge @!p0 [sflag:s0], s1  }
0x4c: {  	s1 =	ssub.s32 @!p0 $0x0, s1;
	[sflag:s0] =	ssyncset.done @!p0 $0x0  }
0x4d: {  	[sflag:s0] =	ssyncadd.s32 @!p0 s1  }
0x4e: {  	[bflag:$0x3] =	sbarrier.arrive $0xFFFF  }
0x4f: {  	_ =	shalt  }

</sc_bundles>
